<compile_context>
chip_gen: v7x
topology: tpu7x:2x2x1
jax: 0.10.2.dev20260603
libtpu: 0.0.44.dev20260713+nightly
codegen_flags: <defaults>
</compile_context>

<pallas_src>
import functools

import jax
import jax.numpy as jnp
from jax import lax
from jax.experimental import pallas as pl
from jax.experimental.pallas import tpu as pltpu
from jax.experimental.pallas import tpu_sc as plsc

_NEG_POS_RATIO = 3
_P = 8732
_PP = 8736
_UNROLL = 13
_NCHUNK = _PP // (16 * _UNROLL)


def _stage1(conf_ref, pred_ref, gt_ref, lab_ref, negv_ref, negu_ref, posce_ref,
            sl1_ref, npos_ref):
    c = conf_ref[0]
    lab = lab_ref[0, 0]
    m = jnp.max(c, axis=0)
    e = jnp.exp(c - m[None, :])
    lse = m + jnp.log(jnp.sum(e, axis=0))
    iota_c = jax.lax.broadcasted_iota(jnp.int32, c.shape, 0)
    c_at_label = jnp.sum(jnp.where(iota_c == lab[None, :], c, 0.0), axis=0)
    pos = lab > 0
    nv = jnp.where(pos, 0.0, lse - c[0, :])
    negv_ref[0, 0, pl.ds(_PP - 8, 8)] = jnp.zeros((8,), jnp.float32)
    negv_ref[0, 0, pl.ds(0, _P)] = nv
    negu_ref[0, 0, pl.ds(_PP - 8, 8)] = jnp.zeros((8,), jnp.int32)
    negu_ref[0, 0, pl.ds(0, _P)] = jax.lax.bitcast_convert_type(nv, jnp.int32)
    posce_ref[0, 0] = jnp.where(pos, lse - c_at_label, 0.0)
    d = pred_ref[0] - gt_ref[0]
    ad = jnp.abs(d)
    sl1 = jnp.where(ad < 1.0, 0.5 * d * d, ad - 0.5)
    sl1_ref[0, 0] = jnp.where(pos, jnp.sum(sl1, axis=0), 0.0)
    npos_ref[0, 0] = jnp.full((128,), jnp.sum(pos.astype(jnp.float32)), jnp.float32)


def _sc_topk(negv_hbm, negu_hbm, npos_hbm, out_hbm, nv_v, nu_v, np_v, o_v):
    w = lax.axis_index("s") * 2 + lax.axis_index("c")
    pltpu.sync_copy(negv_hbm.at[w], nv_v)
    pltpu.sync_copy(negu_hbm.at[w], nu_v)
    pltpu.sync_copy(npos_hbm.at[w], np_v)
    npos = np_v[...].astype(jnp.int32)
    k = jnp.minimum(_NEG_POS_RATIO * npos, _P - npos)
    one = jnp.full((16,), 1, jnp.int32)
    zero = jnp.zeros((16,), jnp.int32)

    gd = jax.lax.GatherDimensionNumbers(
        offset_dims=(), collapsed_slice_dims=(0,), start_index_map=(0,)
    )

    def lane_sum(x):
        for sh in (8, 4, 2, 1):
            idx = jax.lax.iota(jnp.int32, 16) ^ sh
            x = x + jax.lax.gather(
                x, idx[:, None], gd, (1,),
                mode=jax.lax.GatherScatterMode.PROMISE_IN_BOUNDS,
            )
        return x

    def count_ge(test):
        def body(i, acc):
            base = i * (16 * _UNROLL)
            for j in range(_UNROLL):
                u = nu_v[pl.ds(base + j * 16, 16)]
                acc = acc + jnp.where(u >= test, one, zero)
            return acc
        return lane_sum(lax.fori_loop(0, _NCHUNK, body, zero))

    def descend(b, prefix):
        test = prefix | lax.shift_left(one, 30 - b)
        return jnp.where(count_ge(test) >= k, test, prefix)

    t = lax.fori_loop(0, 31, descend, jnp.zeros((16,), jnp.int32))

    def tail(i, carry):
        sacc, cacc, macc = carry
        base = i * (16 * _UNROLL)
        for j in range(_UNROLL):
            v = nv_v[pl.ds(base + j * 16, 16)]
            u = nu_v[pl.ds(base + j * 16, 16)]
            gt = u > t
            sacc = sacc + jnp.where(gt, v, 0.0)
            cacc = cacc + jnp.where(gt, one, zero)
            macc = jnp.maximum(macc, jnp.where(gt, -1.0, v))
        return sacc, cacc, macc

    sacc, cacc, macc = lax.fori_loop(
        0, _NCHUNK, tail,
        (jnp.zeros((16,), jnp.float32), jnp.zeros((16,), jnp.int32),
         jnp.full((16,), -1.0, jnp.float32)),
    )
    o_v[pl.ds(0, 16)] = sacc
    o_v[pl.ds(16, 16)] = macc
    o_v[pl.ds(32, 16)] = (k - lane_sum(cacc)).astype(jnp.float32)
    pltpu.sync_copy(o_v, out_hbm.at[w])


def _final(posce_ref, sl1_ref, lab_ref, topk_ref, out_ref):
    pos_i = (lab_ref[:, 0, :] > 0).astype(jnp.float32)
    nptot = jnp.sum(pos_i)
    tk = topk_ref[...]
    tval = jnp.max(tk[:, 16:32], axis=1, keepdims=True)
    topk_total = jnp.sum(tk[:, 0:16]) + jnp.sum(tval * tk[:, 32:33])
    class_total = jnp.sum(posce_ref[:, 0, :]) + topk_total
    sl1_total = jnp.sum(sl1_ref[:, 0, :])
    lb = sl1_total / nptot
    lc = class_total / nptot
    lanes = jax.lax.broadcasted_iota(jnp.int32, (1, 128), 1)
    out_ref[...] = jnp.where(
        lanes == 0, lb + lc, jnp.where(lanes == 1, lb, jnp.where(lanes == 2, lc, 0.0))
    )


def kernel(confidence, predicted_locations, labels, gt_locations):
    B, P, C = confidence.shape
    lab3 = labels.astype(jnp.int32).reshape(B, 1, P)
    zero = jax.lax.optimization_barrier(jnp.float32(0.0))
    conf_t = jnp.transpose(confidence, (0, 2, 1)) + zero
    pred_t = jnp.transpose(predicted_locations, (0, 2, 1)) + zero
    gt_t = jnp.transpose(gt_locations, (0, 2, 1)) + zero

    negv, negu, posce, sl1, nposv = pl.pallas_call(
        _stage1,
        grid=(B,),
        in_specs=[
            pl.BlockSpec((1, C, P), lambda b: (b, 0, 0)),
            pl.BlockSpec((1, 4, P), lambda b: (b, 0, 0)),
            pl.BlockSpec((1, 4, P), lambda b: (b, 0, 0)),
            pl.BlockSpec((1, 1, P), lambda b: (b, 0, 0)),
        ],
        out_specs=[
            pl.BlockSpec((1, 1, _PP), lambda b: (b, 0, 0)),
            pl.BlockSpec((1, 1, _PP), lambda b: (b, 0, 0)),
            pl.BlockSpec((1, 1, P), lambda b: (b, 0, 0)),
            pl.BlockSpec((1, 1, P), lambda b: (b, 0, 0)),
            pl.BlockSpec((1, 1, 128), lambda b: (b, 0, 0)),
        ],
        out_shape=[
            jax.ShapeDtypeStruct((B, 1, _PP), jnp.float32),
            jax.ShapeDtypeStruct((B, 1, _PP), jnp.int32),
            jax.ShapeDtypeStruct((B, 1, P), jnp.float32),
            jax.ShapeDtypeStruct((B, 1, P), jnp.float32),
            jax.ShapeDtypeStruct((B, 1, 128), jnp.float32),
        ],
    )(conf_t, pred_t, gt_t, lab3)

    sc_kernel = functools.partial(
        pl.kernel,
        out_type=jax.ShapeDtypeStruct((B, 48), jnp.float32),
        mesh=plsc.VectorSubcoreMesh(core_axis_name="c", subcore_axis_name="s"),
        scratch_types=[
            pltpu.VMEM((_PP,), jnp.float32),
            pltpu.VMEM((_PP,), jnp.int32),
            pltpu.VMEM((16,), jnp.float32),
            pltpu.VMEM((48,), jnp.float32),
        ],
    )(_sc_topk)
    topk = sc_kernel(
        negv.reshape(B, _PP), negu.reshape(B, _PP), nposv.reshape(B, 128)[:, :16]
    )

    out = pl.pallas_call(
        _final,
        out_shape=jax.ShapeDtypeStruct((1, 128), jnp.float32),
    )(posce, sl1, lab3, topk)

    return (out[0, 0], out[0, 1], out[0, 2])

# --- scband reference (transcript-rebuilt; emitter-appended) ---
"""Pipeline reference for scband-multibox-loss-21354577395766 (READ-ONLY COPY).

The authoritative reference and input builder live on the scoring server;
editing this copy changes nothing except your own understanding.
"""

import jax, jax.numpy as jnp
import numpy as np

NEG_POS_RATIO = 3


def setup_inputs(seed=0) -> dict:
    key = jax.random.key(seed)
    k1, k2, k3, k4 = jax.random.split(key, 4)
    B, P, C = 32, 8732, 81
    confidence = jax.random.normal(k1, (B, P, C), dtype=jnp.float32)
    predicted_locations = jax.random.normal(k2, (B, P, 4), dtype=jnp.float32)
    labels = jax.random.randint(k3, (B, P), 0, 81)
    gt_locations = jax.random.normal(k4, (B, P, 4), dtype=jnp.float32)
    return {
        "confidence": confidence,
        "predicted_locations": predicted_locations,
        "labels": labels,
        "gt_locations": gt_locations,
    }


def _hard_negative_mining(loss, labels, neg_pos_ratio):
    pos_mask = labels > 0
    num_pos = jnp.sum(pos_mask.astype(jnp.int32), axis=1, keepdims=True)
    num_neg = num_pos * neg_pos_ratio
    loss = jnp.where(pos_mask, -jnp.inf, loss)
    # sort descending -> indexes; sort indexes -> orders (rank of each element)
    indexes = jnp.argsort(-loss, axis=1)
    orders = jnp.argsort(indexes, axis=1)
    neg_mask = orders < num_neg
    return pos_mask | neg_mask


def reference(confidence, predicted_locations, labels, gt_locations):
    num_classes = confidence.shape[2]
    # no_grad block: mining loss from background log-softmax
    conf_ng = jax.lax.stop_gradient(confidence)
    mining_loss = -jax.nn.log_softmax(conf_ng, axis=2)[:, :, 0]
    mask = _hard_negative_mining(mining_loss, labels, NEG_POS_RATIO)

    # classification loss: cross entropy summed over selected (mask) priors
    logp = jax.nn.log_softmax(confidence, axis=2)
    ce = -jnp.take_along_axis(logp, labels[:, :, None], axis=2)[:, :, 0]
    classification_loss = jnp.sum(jnp.where(mask, ce, 0.0))

    # smooth L1 over positive priors
    pos_mask = labels > 0
    diff = predicted_locations - gt_locations
    ad = jnp.abs(diff)
    sl1 = jnp.where(ad < 1.0, 0.5 * diff * diff, ad - 0.5)
    smooth_l1_loss = jnp.sum(jnp.where(pos_mask[:, :, None], sl1, 0.0))

    num_pos = jnp.sum(pos_mask.astype(jnp.float32))
    lb = smooth_l1_loss / num_pos
    lc = classification_loss / num_pos
    return (lb + lc, lb, lc)

if __name__ == "__main__":
    import jax
    _d = setup_inputs()
    print(jax.jit(kernel)(*tuple(_d.values())))

</pallas_src>

<mosaic_0001>
#map = affine_map<(d0, d1) -> (0, 0)>
module attributes {stable_mosaic.version = 14 : i64} {
  func.func @_sc_topk(%arg0: i32, %arg1: i32, %arg2: memref<32x8736xf32, #tpu.memory_space<hbm>>, %arg3: memref<32x8736xi32, #tpu.memory_space<hbm>>, %arg4: memref<32x16xf32, #tpu.memory_space<hbm>>, %arg5: memref<32x48xf32, #tpu.memory_space<hbm>>, %arg6: memref<8736xf32, #tpu.memory_space<vmem>>, %arg7: memref<8736xi32, #tpu.memory_space<vmem>>, %arg8: memref<16xf32, #tpu.memory_space<vmem>>, %arg9: memref<48xf32, #tpu.memory_space<vmem>>) attributes {dimension_semantics = [#tpu.dimension_semantics<core_parallel>, #tpu.dimension_semantics<subcore_parallel>], iteration_bounds = array<i64: 2, 16>, scalar_prefetch = 0 : i64, scratch_operands = 4 : i64, tpu.core_type = #tpu.core_type<sc_vector_subcore>, window_params = [{transform_indices = #map}, {transform_indices = #map}, {transform_indices = #map}, {transform_indices = #map}]} {
    %mul3A = arith.constant 2 : i32
    %mul3A_0 = arith.muli %arg1, %mul3A : i32
    %add3A = arith.addi %mul3A_0, %arg0 : i32
    "tpu.region"() ({
      %run_scoped3A = tpu.sem_alloc : memref<!tpu.dma_semaphore, #tpu.memory_space<semaphore_mem>>
      %dma_start3A = arith.constant 0 : i32
      %dma_start3A_72 = tpu.memref_slice %arg2[%add3A, %dma_start3A] : memref<32x8736xf32, #tpu.memory_space<hbm>> -> memref<1x8736xf32, #tpu.memory_space<hbm>>
      %dma_start3A_73 = tpu.memref_squeeze %dma_start3A_72 : memref<1x8736xf32, #tpu.memory_space<hbm>> -> memref<8736xf32, #tpu.memory_space<hbm>>
      %dma_start3A_74 = arith.constant 0 : i32
      %dma_start3A_75 = tpu.memref_slice %arg2[%add3A, %dma_start3A_74] : memref<32x8736xf32, #tpu.memory_space<hbm>> -> memref<1x8736xf32, #tpu.memory_space<hbm>>
      %dma_start3A_76 = tpu.memref_squeeze %dma_start3A_75 : memref<1x8736xf32, #tpu.memory_space<hbm>> -> memref<8736xf32, #tpu.memory_space<hbm>>
      tpu.enqueue_dma source(%dma_start3A_76 : memref<8736xf32, #tpu.memory_space<hbm>>) target(%arg6 : memref<8736xf32, #tpu.memory_space<vmem>>) target_semaphore(%run_scoped3A : memref<!tpu.dma_semaphore, #tpu.memory_space<semaphore_mem>>)
      %dma_wait3A = arith.constant 0 : i32
      %dma_wait3A_77 = tpu.memref_slice %arg2[%add3A, %dma_wait3A] : memref<32x8736xf32, #tpu.memory_space<hbm>> -> memref<1x8736xf32, #tpu.memory_space<hbm>>
      %dma_wait3A_78 = tpu.memref_squeeze %dma_wait3A_77 : memref<1x8736xf32, #tpu.memory_space<hbm>> -> memref<8736xf32, #tpu.memory_space<hbm>>
      %dma_wait3A_79 = arith.constant 0 : i32
      %dma_wait3A_80 = tpu.memref_slice %arg2[%add3A, %dma_wait3A_79] : memref<32x8736xf32, #tpu.memory_space<hbm>> -> memref<1x8736xf32, #tpu.memory_space<hbm>>
      %dma_wait3A_81 = tpu.memref_squeeze %dma_wait3A_80 : memref<1x8736xf32, #tpu.memory_space<hbm>> -> memref<8736xf32, #tpu.memory_space<hbm>>
      tpu.wait_dma2 semaphore(%run_scoped3A : memref<!tpu.dma_semaphore, #tpu.memory_space<semaphore_mem>>) src(%dma_wait3A_81 : memref<8736xf32, #tpu.memory_space<hbm>>) dst(%arg6 : memref<8736xf32, #tpu.memory_space<vmem>>)
      tpu.yield
    }) : () -> ()
    "tpu.region"() ({
      %run_scoped3A = tpu.sem_alloc : memref<!tpu.dma_semaphore, #tpu.memory_space<semaphore_mem>>
      %dma_start3A = arith.constant 0 : i32
      %dma_start3A_72 = tpu.memref_slice %arg3[%add3A, %dma_start3A] : memref<32x8736xi32, #tpu.memory_space<hbm>> -> memref<1x8736xi32, #tpu.memory_space<hbm>>
      %dma_start3A_73 = tpu.memref_squeeze %dma_start3A_72 : memref<1x8736xi32, #tpu.memory_space<hbm>> -> memref<8736xi32, #tpu.memory_space<hbm>>
      %dma_start3A_74 = arith.constant 0 : i32
      %dma_start3A_75 = tpu.memref_slice %arg3[%add3A, %dma_start3A_74] : memref<32x8736xi32, #tpu.memory_space<hbm>> -> memref<1x8736xi32, #tpu.memory_space<hbm>>
      %dma_start3A_76 = tpu.memref_squeeze %dma_start3A_75 : memref<1x8736xi32, #tpu.memory_space<hbm>> -> memref<8736xi32, #tpu.memory_space<hbm>>
      tpu.enqueue_dma source(%dma_start3A_76 : memref<8736xi32, #tpu.memory_space<hbm>>) target(%arg7 : memref<8736xi32, #tpu.memory_space<vmem>>) target_semaphore(%run_scoped3A : memref<!tpu.dma_semaphore, #tpu.memory_space<semaphore_mem>>)
      %dma_wait3A = arith.constant 0 : i32
      %dma_wait3A_77 = tpu.memref_slice %arg3[%add3A, %dma_wait3A] : memref<32x8736xi32, #tpu.memory_space<hbm>> -> memref<1x8736xi32, #tpu.memory_space<hbm>>
      %dma_wait3A_78 = tpu.memref_squeeze %dma_wait3A_77 : memref<1x8736xi32, #tpu.memory_space<hbm>> -> memref<8736xi32, #tpu.memory_space<hbm>>
      %dma_wait3A_79 = arith.constant 0 : i32
      %dma_wait3A_80 = tpu.memref_slice %arg3[%add3A, %dma_wait3A_79] : memref<32x8736xi32, #tpu.memory_space<hbm>> -> memref<1x8736xi32, #tpu.memory_space<hbm>>
      %dma_wait3A_81 = tpu.memref_squeeze %dma_wait3A_80 : memref<1x8736xi32, #tpu.memory_space<hbm>> -> memref<8736xi32, #tpu.memory_space<hbm>>
      tpu.wait_dma2 semaphore(%run_scoped3A : memref<!tpu.dma_semaphore, #tpu.memory_space<semaphore_mem>>) src(%dma_wait3A_81 : memref<8736xi32, #tpu.memory_space<hbm>>) dst(%arg7 : memref<8736xi32, #tpu.memory_space<vmem>>)
      tpu.yield
    }) : () -> ()
    "tpu.region"() ({
      %run_scoped3A = tpu.sem_alloc : memref<!tpu.dma_semaphore, #tpu.memory_space<semaphore_mem>>
      %dma_start3A = arith.constant 0 : i32
      %dma_start3A_72 = tpu.memref_slice %arg4[%add3A, %dma_start3A] : memref<32x16xf32, #tpu.memory_space<hbm>> -> memref<1x16xf32, #tpu.memory_space<hbm>>
      %dma_start3A_73 = tpu.memref_squeeze %dma_start3A_72 : memref<1x16xf32, #tpu.memory_space<hbm>> -> memref<16xf32, #tpu.memory_space<hbm>>
      %dma_start3A_74 = arith.constant 0 : i32
      %dma_start3A_75 = tpu.memref_slice %arg4[%add3A, %dma_start3A_74] : memref<32x16xf32, #tpu.memory_space<hbm>> -> memref<1x16xf32, #tpu.memory_space<hbm>>
      %dma_start3A_76 = tpu.memref_squeeze %dma_start3A_75 : memref<1x16xf32, #tpu.memory_space<hbm>> -> memref<16xf32, #tpu.memory_space<hbm>>
      tpu.enqueue_dma source(%dma_start3A_76 : memref<16xf32, #tpu.memory_space<hbm>>) target(%arg8 : memref<16xf32, #tpu.memory_space<vmem>>) target_semaphore(%run_scoped3A : memref<!tpu.dma_semaphore, #tpu.memory_space<semaphore_mem>>)
      %dma_wait3A = arith.constant 0 : i32
      %dma_wait3A_77 = tpu.memref_slice %arg4[%add3A, %dma_wait3A] : memref<32x16xf32, #tpu.memory_space<hbm>> -> memref<1x16xf32, #tpu.memory_space<hbm>>
      %dma_wait3A_78 = tpu.memref_squeeze %dma_wait3A_77 : memref<1x16xf32, #tpu.memory_space<hbm>> -> memref<16xf32, #tpu.memory_space<hbm>>
      %dma_wait3A_79 = arith.constant 0 : i32
      %dma_wait3A_80 = tpu.memref_slice %arg4[%add3A, %dma_wait3A_79] : memref<32x16xf32, #tpu.memory_space<hbm>> -> memref<1x16xf32, #tpu.memory_space<hbm>>
      %dma_wait3A_81 = tpu.memref_squeeze %dma_wait3A_80 : memref<1x16xf32, #tpu.memory_space<hbm>> -> memref<16xf32, #tpu.memory_space<hbm>>
      tpu.wait_dma2 semaphore(%run_scoped3A : memref<!tpu.dma_semaphore, #tpu.memory_space<semaphore_mem>>) src(%dma_wait3A_81 : memref<16xf32, #tpu.memory_space<hbm>>) dst(%arg8 : memref<16xf32, #tpu.memory_space<vmem>>)
      tpu.yield
    }) : () -> ()
    %get3A = arith.constant 0 : index
    %get3A_1 = tpu.vector_load %arg8[%get3A] {strides = array<i32>} : memref<16xf32, #tpu.memory_space<vmem>>, vector<16xf32>,
    %get3A_2 = vector.shape_cast %get3A_1 : vector<16xf32> to vector<16xf32>
    %convert_element_type3A = arith.fptosi %get3A_2 : vector<16xf32> to vector<16xi32>
    %mul3A_3 = arith.constant 3 : i32
    %mul3A_4 = vector.broadcast %mul3A_3 : i32 to vector<16xi32>
    %mul3A_5 = arith.muli %mul3A_4, %convert_element_type3A : vector<16xi32>
    %sub3A = arith.constant 8732 : i32
    %sub3A_6 = vector.broadcast %sub3A : i32 to vector<16xi32>
    %sub3A_7 = arith.subi %sub3A_6, %convert_element_type3A : vector<16xi32>
    %min3A = arith.minsi %mul3A_5, %sub3A_7 : vector<16xi32>
    %broadcast_in_dim3A = arith.constant 1 : i32
    %broadcast_in_dim3A_8 = vector.broadcast %broadcast_in_dim3A : i32 to vector<16xi32>
    %broadcast_in_dim3A_9 = arith.constant 0 : i32
    %broadcast_in_dim3A_10 = vector.broadcast %broadcast_in_dim3A_9 : i32 to vector<16xi32>
    %broadcast_in_dim3A_11 = arith.constant 0 : i32
    %broadcast_in_dim3A_12 = vector.broadcast %broadcast_in_dim3A_11 : i32 to vector<16xi32>
    %scan3A = arith.constant 0 : i32
    %scan3A_13 = arith.constant 31 : i32
    %scan3A_14 = arith.addi %scan3A, %scan3A_13 : i32
    %scan3A_15 = arith.constant 1 : i32
    %scan3A_16 = scf.for %scan3A_72 = %scan3A to %scan3A_14 step %scan3A_15 iter_args(%scan3A_73 = %broadcast_in_dim3A_12) -> (vector<16xi32>)  : i32 {
      %sub3A_74 = arith.constant 30 : i32
      %sub3A_75 = arith.subi %sub3A_74, %scan3A_72 : i32
      %shift_left3A = vector.broadcast %sub3A_75 : i32 to vector<16xi32>
      %shift_left3A_76 = arith.shli %broadcast_in_dim3A_8, %shift_left3A : vector<16xi32>
      %or3A = arith.ori %scan3A_73, %shift_left3A_76 : vector<16xi32>
      %scan3A_77 = arith.constant 0 : i32
      %scan3A_78 = arith.constant 42 : i32
      %scan3A_79 = arith.addi %scan3A_77, %scan3A_78 : i32
      %scan3A_80 = arith.constant 1 : i32
      %scan3A_81 = scf.for %scan3A_115 = %scan3A_77 to %scan3A_79 step %scan3A_80 iter_args(%scan3A_116 = %broadcast_in_dim3A_10) -> (vector<16xi32>)  : i32 {
        %mul3A_117 = arith.constant 208 : i32
        %mul3A_118 = arith.muli %scan3A_115, %mul3A_117 : i32
        %add3A_119 = arith.constant 0 : i32
        %add3A_120 = arith.addi %mul3A_118, %add3A_119 : i32
        %get3A_121 = arith.index_cast %add3A_120 : i32 to index
        %get3A_122 = tpu.vector_load %arg7[%get3A_121] {strides = array<i32>} : memref<8736xi32, #tpu.memory_space<vmem>>, vector<16xi32>,
        %get3A_123 = vector.shape_cast %get3A_122 : vector<16xi32> to vector<16xi32>
        %ge3A_124 = arith.cmpi sge, %get3A_123, %or3A : vector<16xi32>
        %select_n3A_125 = arith.select %ge3A_124, %broadcast_in_dim3A_8, %broadcast_in_dim3A_10 : vector<16xi1>, vector<16xi32>
        %add3A_126 = arith.addi %scan3A_116, %select_n3A_125 : vector<16xi32>
        %add3A_127 = arith.constant 16 : i32
        %add3A_128 = arith.addi %mul3A_118, %add3A_127 : i32
        %get3A_129 = arith.index_cast %add3A_128 : i32 to index
        %get3A_130 = tpu.vector_load %arg7[%get3A_129] {strides = array<i32>} : memref<8736xi32, #tpu.memory_space<vmem>>, vector<16xi32>,
        %get3A_131 = vector.shape_cast %get3A_130 : vector<16xi32> to vector<16xi32>
        %ge3A_132 = arith.cmpi sge, %get3A_131, %or3A : vector<16xi32>
        %select_n3A_133 = arith.select %ge3A_132, %broadcast_in_dim3A_8, %broadcast_in_dim3A_10 : vector<16xi1>, vector<16xi32>
        %add3A_134 = arith.addi %add3A_126, %select_n3A_133 : vector<16xi32>
        %add3A_135 = arith.constant 32 : i32
        %add3A_136 = arith.addi %mul3A_118, %add3A_135 : i32
        %get3A_137 = arith.index_cast %add3A_136 : i32 to index
        %get3A_138 = tpu.vector_load %arg7[%get3A_137] {strides = array<i32>} : memref<8736xi32, #tpu.memory_space<vmem>>, vector<16xi32>,
        %get3A_139 = vector.shape_cast %get3A_138 : vector<16xi32> to vector<16xi32>
        %ge3A_140 = arith.cmpi sge, %get3A_139, %or3A : vector<16xi32>
        %select_n3A_141 = arith.select %ge3A_140, %broadcast_in_dim3A_8, %broadcast_in_dim3A_10 : vector<16xi1>, vector<16xi32>
        %add3A_142 = arith.addi %add3A_134, %select_n3A_141 : vector<16xi32>
        %add3A_143 = arith.constant 48 : i32
        %add3A_144 = arith.addi %mul3A_118, %add3A_143 : i32
        %get3A_145 = arith.index_cast %add3A_144 : i32 to index
        %get3A_146 = tpu.vector_load %arg7[%get3A_145] {strides = array<i32>} : memref<8736xi32, #tpu.memory_space<vmem>>, vector<16xi32>,
        %get3A_147 = vector.shape_cast %get3A_146 : vector<16xi32> to vector<16xi32>
        %ge3A_148 = arith.cmpi sge, %get3A_147, %or3A : vector<16xi32>
        %select_n3A_149 = arith.select %ge3A_148, %broadcast_in_dim3A_8, %broadcast_in_dim3A_10 : vector<16xi1>, vector<16xi32>
        %add3A_150 = arith.addi %add3A_142, %select_n3A_149 : vector<16xi32>
        %add3A_151 = arith.constant 64 : i32
        %add3A_152 = arith.addi %mul3A_118, %add3A_151 : i32
        %get3A_153 = arith.index_cast %add3A_152 : i32 to index
        %get3A_154 = tpu.vector_load %arg7[%get3A_153] {strides = array<i32>} : memref<8736xi32, #tpu.memory_space<vmem>>, vector<16xi32>,
        %get3A_155 = vector.shape_cast %get3A_154 : vector<16xi32> to vector<16xi32>
        %ge3A_156 = arith.cmpi sge, %get3A_155, %or3A : vector<16xi32>
        %select_n3A_157 = arith.select %ge3A_156, %broadcast_in_dim3A_8, %broadcast_in_dim3A_10 : vector<16xi1>, vector<16xi32>
        %add3A_158 = arith.addi %add3A_150, %select_n3A_157 : vector<16xi32>
        %add3A_159 = arith.constant 80 : i32
        %add3A_160 = arith.addi %mul3A_118, %add3A_159 : i32
        %get3A_161 = arith.index_cast %add3A_160 : i32 to index
        %get3A_162 = tpu.vector_load %arg7[%get3A_161] {strides = array<i32>} : memref<8736xi32, #tpu.memory_space<vmem>>, vector<16xi32>,
        %get3A_163 = vector.shape_cast %get3A_162 : vector<16xi32> to vector<16xi32>
        %ge3A_164 = arith.cmpi sge, %get3A_163, %or3A : vector<16xi32>
        %select_n3A_165 = arith.select %ge3A_164, %broadcast_in_dim3A_8, %broadcast_in_dim3A_10 : vector<16xi1>, vector<16xi32>
        %add3A_166 = arith.addi %add3A_158, %select_n3A_165 : vector<16xi32>
        %add3A_167 = arith.constant 96 : i32
        %add3A_168 = arith.addi %mul3A_118, %add3A_167 : i32
        %get3A_169 = arith.index_cast %add3A_168 : i32 to index
        %get3A_170 = tpu.vector_load %arg7[%get3A_169] {strides = array<i32>} : memref<8736xi32, #tpu.memory_space<vmem>>, vector<16xi32>,
        %get3A_171 = vector.shape_cast %get3A_170 : vector<16xi32> to vector<16xi32>
        %ge3A_172 = arith.cmpi sge, %get3A_171, %or3A : vector<16xi32>
        %select_n3A_173 = arith.select %ge3A_172, %broadcast_in_dim3A_8, %broadcast_in_dim3A_10 : vector<16xi1>, vector<16xi32>
        %add3A_174 = arith.addi %add3A_166, %select_n3A_173 : vector<16xi32>
        %add3A_175 = arith.constant 112 : i32
        %add3A_176 = arith.addi %mul3A_118, %add3A_175 : i32
        %get3A_177 = arith.index_cast %add3A_176 : i32 to index
        %get3A_178 = tpu.vector_load %arg7[%get3A_177] {strides = array<i32>} : memref<8736xi32, #tpu.memory_space<vmem>>, vector<16xi32>,
        %get3A_179 = vector.shape_cast %get3A_178 : vector<16xi32> to vector<16xi32>
        %ge3A_180 = arith.cmpi sge, %get3A_179, %or3A : vector<16xi32>
        %select_n3A_181 = arith.select %ge3A_180, %broadcast_in_dim3A_8, %broadcast_in_dim3A_10 : vector<16xi1>, vector<16xi32>
        %add3A_182 = arith.addi %add3A_174, %select_n3A_181 : vector<16xi32>
        %add3A_183 = arith.constant 128 : i32
        %add3A_184 = arith.addi %mul3A_118, %add3A_183 : i32
        %get3A_185 = arith.index_cast %add3A_184 : i32 to index
        %get3A_186 = tpu.vector_load %arg7[%get3A_185] {strides = array<i32>} : memref<8736xi32, #tpu.memory_space<vmem>>, vector<16xi32>,
        %get3A_187 = vector.shape_cast %get3A_186 : vector<16xi32> to vector<16xi32>
        %ge3A_188 = arith.cmpi sge, %get3A_187, %or3A : vector<16xi32>
        %select_n3A_189 = arith.select %ge3A_188, %broadcast_in_dim3A_8, %broadcast_in_dim3A_10 : vector<16xi1>, vector<16xi32>
        %add3A_190 = arith.addi %add3A_182, %select_n3A_189 : vector<16xi32>
        %add3A_191 = arith.constant 144 : i32
        %add3A_192 = arith.addi %mul3A_118, %add3A_191 : i32
        %get3A_193 = arith.index_cast %add3A_192 : i32 to index
        %get3A_194 = tpu.vector_load %arg7[%get3A_193] {strides = array<i32>} : memref<8736xi32, #tpu.memory_space<vmem>>, vector<16xi32>,
        %get3A_195 = vector.shape_cast %get3A_194 : vector<16xi32> to vector<16xi32>
        %ge3A_196 = arith.cmpi sge, %get3A_195, %or3A : vector<16xi32>
        %select_n3A_197 = arith.select %ge3A_196, %broadcast_in_dim3A_8, %broadcast_in_dim3A_10 : vector<16xi1>, vector<16xi32>
        %add3A_198 = arith.addi %add3A_190, %select_n3A_197 : vector<16xi32>
        %add3A_199 = arith.constant 160 : i32
        %add3A_200 = arith.addi %mul3A_118, %add3A_199 : i32
        %get3A_201 = arith.index_cast %add3A_200 : i32 to index
        %get3A_202 = tpu.vector_load %arg7[%get3A_201] {strides = array<i32>} : memref<8736xi32, #tpu.memory_space<vmem>>, vector<16xi32>,
        %get3A_203 = vector.shape_cast %get3A_202 : vector<16xi32> to vector<16xi32>
        %ge3A_204 = arith.cmpi sge, %get3A_203, %or3A : vector<16xi32>
        %select_n3A_205 = arith.select %ge3A_204, %broadcast_in_dim3A_8, %broadcast_in_dim3A_10 : vector<16xi1>, vector<16xi32>
        %add3A_206 = arith.addi %add3A_198, %select_n3A_205 : vector<16xi32>
        %add3A_207 = arith.constant 176 : i32
        %add3A_208 = arith.addi %mul3A_118, %add3A_207 : i32
        %get3A_209 = arith.index_cast %add3A_208 : i32 to index
        %get3A_210 = tpu.vector_load %arg7[%get3A_209] {strides = array<i32>} : memref<8736xi32, #tpu.memory_space<vmem>>, vector<16xi32>,
        %get3A_211 = vector.shape_cast %get3A_210 : vector<16xi32> to vector<16xi32>
        %ge3A_212 = arith.cmpi sge, %get3A_211, %or3A : vector<16xi32>
        %select_n3A_213 = arith.select %ge3A_212, %broadcast_in_dim3A_8, %broadcast_in_dim3A_10 : vector<16xi1>, vector<16xi32>
        %add3A_214 = arith.addi %add3A_206, %select_n3A_213 : vector<16xi32>
        %add3A_215 = arith.constant 192 : i32
        %add3A_216 = arith.addi %mul3A_118, %add3A_215 : i32
        %get3A_217 = arith.index_cast %add3A_216 : i32 to index
        %get3A_218 = tpu.vector_load %arg7[%get3A_217] {strides = array<i32>} : memref<8736xi32, #tpu.memory_space<vmem>>, vector<16xi32>,
        %get3A_219 = vector.shape_cast %get3A_218 : vector<16xi32> to vector<16xi32>
        %ge3A_220 = arith.cmpi sge, %get3A_219, %or3A : vector<16xi32>
        %select_n3A_221 = arith.select %ge3A_220, %broadcast_in_dim3A_8, %broadcast_in_dim3A_10 : vector<16xi1>, vector<16xi32>
        %add3A_222 = arith.addi %add3A_214, %select_n3A_221 : vector<16xi32>
        scf.yield %add3A_222 : vector<16xi32>
      }
      %scan3A_82 = arith.constant 42 : i32
      %iota3A_83 = tpu.iota {dimensions = array<i32: 0>} : vector<16xi32>
      %xor3A_84 = arith.constant 8 : i32
      %xor3A_85 = vector.broadcast %xor3A_84 : i32 to vector<16xi32>
      %xor3A_86 = arith.xori %iota3A_83, %xor3A_85 : vector<16xi32>
      %broadcast_in_dim3A_87 = vector.shape_cast %xor3A_86 : vector<16xi32> to vector<16x1xi32>
      %gather3A_88 = vector.shape_cast %broadcast_in_dim3A_87 : vector<16x1xi32> to vector<16xi32>
      %gather3A_89 = tpu.dynamic_gather %scan3A_81[%gather3A_88] in [0] : vector<16xi32>, vector<16xi32> -> vector<16xi32>
      %add3A_90 = arith.addi %scan3A_81, %gather3A_89 : vector<16xi32>
      %iota3A_91 = tpu.iota {dimensions = array<i32: 0>} : vector<16xi32>
      %xor3A_92 = arith.constant 4 : i32
      %xor3A_93 = vector.broadcast %xor3A_92 : i32 to vector<16xi32>
      %xor3A_94 = arith.xori %iota3A_91, %xor3A_93 : vector<16xi32>
      %broadcast_in_dim3A_95 = vector.shape_cast %xor3A_94 : vector<16xi32> to vector<16x1xi32>
      %gather3A_96 = vector.shape_cast %broadcast_in_dim3A_95 : vector<16x1xi32> to vector<16xi32>
      %gather3A_97 = tpu.dynamic_gather %add3A_90[%gather3A_96] in [0] : vector<16xi32>, vector<16xi32> -> vector<16xi32>
      %add3A_98 = arith.addi %add3A_90, %gather3A_97 : vector<16xi32>
      %iota3A_99 = tpu.iota {dimensions = array<i32: 0>} : vector<16xi32>
      %xor3A_100 = arith.constant 2 : i32
      %xor3A_101 = vector.broadcast %xor3A_100 : i32 to vector<16xi32>
      %xor3A_102 = arith.xori %iota3A_99, %xor3A_101 : vector<16xi32>
      %broadcast_in_dim3A_103 = vector.shape_cast %xor3A_102 : vector<16xi32> to vector<16x1xi32>
      %gather3A_104 = vector.shape_cast %broadcast_in_dim3A_103 : vector<16x1xi32> to vector<16xi32>
      %gather3A_105 = tpu.dynamic_gather %add3A_98[%gather3A_104] in [0] : vector<16xi32>, vector<16xi32> -> vector<16xi32>
      %add3A_106 = arith.addi %add3A_98, %gather3A_105 : vector<16xi32>
      %iota3A_107 = tpu.iota {dimensions = array<i32: 0>} : vector<16xi32>
      %xor3A_108 = arith.constant 1 : i32
      %xor3A_109 = vector.broadcast %xor3A_108 : i32 to vector<16xi32>
      %xor3A_110 = arith.xori %iota3A_107, %xor3A_109 : vector<16xi32>
      %broadcast_in_dim3A_111 = vector.shape_cast %xor3A_110 : vector<16xi32> to vector<16x1xi32>
      %gather3A_112 = vector.shape_cast %broadcast_in_dim3A_111 : vector<16x1xi32> to vector<16xi32>
      %gather3A_113 = tpu.dynamic_gather %add3A_106[%gather3A_112] in [0] : vector<16xi32>, vector<16xi32> -> vector<16xi32>
      %add3A_114 = arith.addi %add3A_106, %gather3A_113 : vector<16xi32>
      %ge3A = arith.cmpi sge, %add3A_114, %min3A : vector<16xi32>
      %select_n3A = arith.select %ge3A, %or3A, %scan3A_73 : vector<16xi1>, vector<16xi32>
      scf.yield %select_n3A : vector<16xi32>
    }
    %scan3A_17 = arith.constant 31 : i32
    %broadcast_in_dim3A_18 = arith.constant 0.000000e+00 : f32
    %broadcast_in_dim3A_19 = vector.broadcast %broadcast_in_dim3A_18 : f32 to vector<16xf32>
    %broadcast_in_dim3A_20 = arith.constant 0 : i32
    %broadcast_in_dim3A_21 = vector.broadcast %broadcast_in_dim3A_20 : i32 to vector<16xi32>
    %broadcast_in_dim3A_22 = arith.constant -1.000000e+00 : f32
    %broadcast_in_dim3A_23 = vector.broadcast %broadcast_in_dim3A_22 : f32 to vector<16xf32>
    %scan3A_24 = arith.constant 0 : i32
    %scan3A_25 = arith.constant 42 : i32
    %scan3A_26 = arith.addi %scan3A_24, %scan3A_25 : i32
    %scan3A_27 = arith.constant 1 : i32
    %scan3A_28:3 = scf.for %scan3A_72 = %scan3A_24 to %scan3A_26 step %scan3A_27 iter_args(%scan3A_73 = %broadcast_in_dim3A_19, %scan3A_74 = %broadcast_in_dim3A_21, %scan3A_75 = %broadcast_in_dim3A_23) -> (vector<16xf32>, vector<16xi32>, vector<16xf32>)  : i32 {
      %mul3A_76 = arith.constant 208 : i32
      %mul3A_77 = arith.muli %scan3A_72, %mul3A_76 : i32
      %add3A_78 = arith.constant 0 : i32
      %add3A_79 = arith.addi %mul3A_77, %add3A_78 : i32
      %get3A_80 = arith.index_cast %add3A_79 : i32 to index
      %get3A_81 = tpu.vector_load %arg6[%get3A_80] {strides = array<i32>} : memref<8736xf32, #tpu.memory_space<vmem>>, vector<16xf32>,
      %get3A_82 = vector.shape_cast %get3A_81 : vector<16xf32> to vector<16xf32>
      %add3A_83 = arith.constant 0 : i32
      %add3A_84 = arith.addi %mul3A_77, %add3A_83 : i32
      %get3A_85 = arith.index_cast %add3A_84 : i32 to index
      %get3A_86 = tpu.vector_load %arg7[%get3A_85] {strides = array<i32>} : memref<8736xi32, #tpu.memory_space<vmem>>, vector<16xi32>,
      %get3A_87 = vector.shape_cast %get3A_86 : vector<16xi32> to vector<16xi32>
      %gt3A = arith.cmpi sgt, %get3A_87, %scan3A_16 : vector<16xi32>
      %jit3A = arith.constant 0.000000e+00 : f32
      %broadcast_in_dim3A_88 = vector.broadcast %jit3A : f32 to vector<16xf32>
      %select_n3A = arith.select %gt3A, %get3A_82, %broadcast_in_dim3A_88 : vector<16xi1>, vector<16xf32>
      %add3A_89 = arith.addf %scan3A_73, %select_n3A : vector<16xf32>
      %select_n3A_90 = arith.select %gt3A, %broadcast_in_dim3A_8, %broadcast_in_dim3A_10 : vector<16xi1>, vector<16xi32>
      %add3A_91 = arith.addi %scan3A_74, %select_n3A_90 : vector<16xi32>
      %jit3A_92 = arith.constant -1.000000e+00 : f32
      %broadcast_in_dim3A_93 = vector.broadcast %jit3A_92 : f32 to vector<16xf32>
      %select_n3A_94 = arith.select %gt3A, %broadcast_in_dim3A_93, %get3A_82 : vector<16xi1>, vector<16xf32>
      %max3A = arith.maximumf %scan3A_75, %select_n3A_94 : vector<16xf32>
      %add3A_95 = arith.constant 16 : i32
      %add3A_96 = arith.addi %mul3A_77, %add3A_95 : i32
      %get3A_97 = arith.index_cast %add3A_96 : i32 to index
      %get3A_98 = tpu.vector_load %arg6[%get3A_97] {strides = array<i32>} : memref<8736xf32, #tpu.memory_space<vmem>>, vector<16xf32>,
      %get3A_99 = vector.shape_cast %get3A_98 : vector<16xf32> to vector<16xf32>
      %add3A_100 = arith.constant 16 : i32
      %add3A_101 = arith.addi %mul3A_77, %add3A_100 : i32
      %get3A_102 = arith.index_cast %add3A_101 : i32 to index
      %get3A_103 = tpu.vector_load %arg7[%get3A_102] {strides = array<i32>} : memref<8736xi32, #tpu.memory_space<vmem>>, vector<16xi32>,
      %get3A_104 = vector.shape_cast %get3A_103 : vector<16xi32> to vector<16xi32>
      %gt3A_105 = arith.cmpi sgt, %get3A_104, %scan3A_16 : vector<16xi32>
      %jit3A_106 = arith.constant 0.000000e+00 : f32
      %broadcast_in_dim3A_107 = vector.broadcast %jit3A_106 : f32 to vector<16xf32>
      %select_n3A_108 = arith.select %gt3A_105, %get3A_99, %broadcast_in_dim3A_107 : vector<16xi1>, vector<16xf32>
      %add3A_109 = arith.addf %add3A_89, %select_n3A_108 : vector<16xf32>
      %select_n3A_110 = arith.select %gt3A_105, %broadcast_in_dim3A_8, %broadcast_in_dim3A_10 : vector<16xi1>, vector<16xi32>
      %add3A_111 = arith.addi %add3A_91, %select_n3A_110 : vector<16xi32>
      %jit3A_112 = arith.constant -1.000000e+00 : f32
      %broadcast_in_dim3A_113 = vector.broadcast %jit3A_112 : f32 to vector<16xf32>
      %select_n3A_114 = arith.select %gt3A_105, %broadcast_in_dim3A_113, %get3A_99 : vector<16xi1>, vector<16xf32>
      %max3A_115 = arith.maximumf %max3A, %select_n3A_114 : vector<16xf32>
      %add3A_116 = arith.constant 32 : i32
      %add3A_117 = arith.addi %mul3A_77, %add3A_116 : i32
      %get3A_118 = arith.index_cast %add3A_117 : i32 to index
      %get3A_119 = tpu.vector_load %arg6[%get3A_118] {strides = array<i32>} : memref<8736xf32, #tpu.memory_space<vmem>>, vector<16xf32>,
      %get3A_120 = vector.shape_cast %get3A_119 : vector<16xf32> to vector<16xf32>
      %add3A_121 = arith.constant 32 : i32
      %add3A_122 = arith.addi %mul3A_77, %add3A_121 : i32
      %get3A_123 = arith.index_cast %add3A_122 : i32 to index
      %get3A_124 = tpu.vector_load %arg7[%get3A_123] {strides = array<i32>} : memref<8736xi32, #tpu.memory_space<vmem>>, vector<16xi32>,
      %get3A_125 = vector.shape_cast %get3A_124 : vector<16xi32> to vector<16xi32>
      %gt3A_126 = arith.cmpi sgt, %get3A_125, %scan3A_16 : vector<16xi32>
      %jit3A_127 = arith.constant 0.000000e+00 : f32
      %broadcast_in_dim3A_128 = vector.broadcast %jit3A_127 : f32 to vector<16xf32>
      %select_n3A_129 = arith.select %gt3A_126, %get3A_120, %broadcast_in_dim3A_128 : vector<16xi1>, vector<16xf32>
      %add3A_130 = arith.addf %add3A_109, %select_n3A_129 : vector<16xf32>
      %select_n3A_131 = arith.select %gt3A_126, %broadcast_in_dim3A_8, %broadcast_in_dim3A_10 : vector<16xi1>, vector<16xi32>
      %add3A_132 = arith.addi %add3A_111, %select_n3A_131 : vector<16xi32>
      %jit3A_133 = arith.constant -1.000000e+00 : f32
      %broadcast_in_dim3A_134 = vector.broadcast %jit3A_133 : f32 to vector<16xf32>
      %select_n3A_135 = arith.select %gt3A_126, %broadcast_in_dim3A_134, %get3A_120 : vector<16xi1>, vector<16xf32>
      %max3A_136 = arith.maximumf %max3A_115, %select_n3A_135 : vector<16xf32>
      %add3A_137 = arith.constant 48 : i32
      %add3A_138 = arith.addi %mul3A_77, %add3A_137 : i32
      %get3A_139 = arith.index_cast %add3A_138 : i32 to index
      %get3A_140 = tpu.vector_load %arg6[%get3A_139] {strides = array<i32>} : memref<8736xf32, #tpu.memory_space<vmem>>, vector<16xf32>,
      %get3A_141 = vector.shape_cast %get3A_140 : vector<16xf32> to vector<16xf32>
      %add3A_142 = arith.constant 48 : i32
      %add3A_143 = arith.addi %mul3A_77, %add3A_142 : i32
      %get3A_144 = arith.index_cast %add3A_143 : i32 to index
      %get3A_145 = tpu.vector_load %arg7[%get3A_144] {strides = array<i32>} : memref<8736xi32, #tpu.memory_space<vmem>>, vector<16xi32>,
      %get3A_146 = vector.shape_cast %get3A_145 : vector<16xi32> to vector<16xi32>
      %gt3A_147 = arith.cmpi sgt, %get3A_146, %scan3A_16 : vector<16xi32>
      %jit3A_148 = arith.constant 0.000000e+00 : f32
      %broadcast_in_dim3A_149 = vector.broadcast %jit3A_148 : f32 to vector<16xf32>
      %select_n3A_150 = arith.select %gt3A_147, %get3A_141, %broadcast_in_dim3A_149 : vector<16xi1>, vector<16xf32>
      %add3A_151 = arith.addf %add3A_130, %select_n3A_150 : vector<16xf32>
      %select_n3A_152 = arith.select %gt3A_147, %broadcast_in_dim3A_8, %broadcast_in_dim3A_10 : vector<16xi1>, vector<16xi32>
      %add3A_153 = arith.addi %add3A_132, %select_n3A_152 : vector<16xi32>
      %jit3A_154 = arith.constant -1.000000e+00 : f32
      %broadcast_in_dim3A_155 = vector.broadcast %jit3A_154 : f32 to vector<16xf32>
      %select_n3A_156 = arith.select %gt3A_147, %broadcast_in_dim3A_155, %get3A_141 : vector<16xi1>, vector<16xf32>
      %max3A_157 = arith.maximumf %max3A_136, %select_n3A_156 : vector<16xf32>
      %add3A_158 = arith.constant 64 : i32
      %add3A_159 = arith.addi %mul3A_77, %add3A_158 : i32
      %get3A_160 = arith.index_cast %add3A_159 : i32 to index
      %get3A_161 = tpu.vector_load %arg6[%get3A_160] {strides = array<i32>} : memref<8736xf32, #tpu.memory_space<vmem>>, vector<16xf32>,
      %get3A_162 = vector.shape_cast %get3A_161 : vector<16xf32> to vector<16xf32>
      %add3A_163 = arith.constant 64 : i32
      %add3A_164 = arith.addi %mul3A_77, %add3A_163 : i32
      %get3A_165 = arith.index_cast %add3A_164 : i32 to index
      %get3A_166 = tpu.vector_load %arg7[%get3A_165] {strides = array<i32>} : memref<8736xi32, #tpu.memory_space<vmem>>, vector<16xi32>,
      %get3A_167 = vector.shape_cast %get3A_166 : vector<16xi32> to vector<16xi32>
      %gt3A_168 = arith.cmpi sgt, %get3A_167, %scan3A_16 : vector<16xi32>
      %jit3A_169 = arith.constant 0.000000e+00 : f32
      %broadcast_in_dim3A_170 = vector.broadcast %jit3A_169 : f32 to vector<16xf32>
      %select_n3A_171 = arith.select %gt3A_168, %get3A_162, %broadcast_in_dim3A_170 : vector<16xi1>, vector<16xf32>
      %add3A_172 = arith.addf %add3A_151, %select_n3A_171 : vector<16xf32>
      %select_n3A_173 = arith.select %gt3A_168, %broadcast_in_dim3A_8, %broadcast_in_dim3A_10 : vector<16xi1>, vector<16xi32>
      %add3A_174 = arith.addi %add3A_153, %select_n3A_173 : vector<16xi32>
      %jit3A_175 = arith.constant -1.000000e+00 : f32
      %broadcast_in_dim3A_176 = vector.broadcast %jit3A_175 : f32 to vector<16xf32>
      %select_n3A_177 = arith.select %gt3A_168, %broadcast_in_dim3A_176, %get3A_162 : vector<16xi1>, vector<16xf32>
      %max3A_178 = arith.maximumf %max3A_157, %select_n3A_177 : vector<16xf32>
      %add3A_179 = arith.constant 80 : i32
      %add3A_180 = arith.addi %mul3A_77, %add3A_179 : i32
      %get3A_181 = arith.index_cast %add3A_180 : i32 to index
      %get3A_182 = tpu.vector_load %arg6[%get3A_181] {strides = array<i32>} : memref<8736xf32, #tpu.memory_space<vmem>>, vector<16xf32>,
      %get3A_183 = vector.shape_cast %get3A_182 : vector<16xf32> to vector<16xf32>
      %add3A_184 = arith.constant 80 : i32
      %add3A_185 = arith.addi %mul3A_77, %add3A_184 : i32
      %get3A_186 = arith.index_cast %add3A_185 : i32 to index
      %get3A_187 = tpu.vector_load %arg7[%get3A_186] {strides = array<i32>} : memref<8736xi32, #tpu.memory_space<vmem>>, vector<16xi32>,
      %get3A_188 = vector.shape_cast %get3A_187 : vector<16xi32> to vector<16xi32>
      %gt3A_189 = arith.cmpi sgt, %get3A_188, %scan3A_16 : vector<16xi32>
      %jit3A_190 = arith.constant 0.000000e+00 : f32
      %broadcast_in_dim3A_191 = vector.broadcast %jit3A_190 : f32 to vector<16xf32>
      %select_n3A_192 = arith.select %gt3A_189, %get3A_183, %broadcast_in_dim3A_191 : vector<16xi1>, vector<16xf32>
      %add3A_193 = arith.addf %add3A_172, %select_n3A_192 : vector<16xf32>
      %select_n3A_194 = arith.select %gt3A_189, %broadcast_in_dim3A_8, %broadcast_in_dim3A_10 : vector<16xi1>, vector<16xi32>
      %add3A_195 = arith.addi %add3A_174, %select_n3A_194 : vector<16xi32>
      %jit3A_196 = arith.constant -1.000000e+00 : f32
      %broadcast_in_dim3A_197 = vector.broadcast %jit3A_196 : f32 to vector<16xf32>
      %select_n3A_198 = arith.select %gt3A_189, %broadcast_in_dim3A_197, %get3A_183 : vector<16xi1>, vector<16xf32>
      %max3A_199 = arith.maximumf %max3A_178, %select_n3A_198 : vector<16xf32>
      %add3A_200 = arith.constant 96 : i32
      %add3A_201 = arith.addi %mul3A_77, %add3A_200 : i32
      %get3A_202 = arith.index_cast %add3A_201 : i32 to index
      %get3A_203 = tpu.vector_load %arg6[%get3A_202] {strides = array<i32>} : memref<8736xf32, #tpu.memory_space<vmem>>, vector<16xf32>,
      %get3A_204 = vector.shape_cast %get3A_203 : vector<16xf32> to vector<16xf32>
      %add3A_205 = arith.constant 96 : i32
      %add3A_206 = arith.addi %mul3A_77, %add3A_205 : i32
      %get3A_207 = arith.index_cast %add3A_206 : i32 to index
      %get3A_208 = tpu.vector_load %arg7[%get3A_207] {strides = array<i32>} : memref<8736xi32, #tpu.memory_space<vmem>>, vector<16xi32>,
      %get3A_209 = vector.shape_cast %get3A_208 : vector<16xi32> to vector<16xi32>
      %gt3A_210 = arith.cmpi sgt, %get3A_209, %scan3A_16 : vector<16xi32>
      %jit3A_211 = arith.constant 0.000000e+00 : f32
      %broadcast_in_dim3A_212 = vector.broadcast %jit3A_211 : f32 to vector<16xf32>
      %select_n3A_213 = arith.select %gt3A_210, %get3A_204, %broadcast_in_dim3A_212 : vector<16xi1>, vector<16xf32>
      %add3A_214 = arith.addf %add3A_193, %select_n3A_213 : vector<16xf32>
      %select_n3A_215 = arith.select %gt3A_210, %broadcast_in_dim3A_8, %broadcast_in_dim3A_10 : vector<16xi1>, vector<16xi32>
      %add3A_216 = arith.addi %add3A_195, %select_n3A_215 : vector<16xi32>
      %jit3A_217 = arith.constant -1.000000e+00 : f32
      %broadcast_in_dim3A_218 = vector.broadcast %jit3A_217 : f32 to vector<16xf32>
      %select_n3A_219 = arith.select %gt3A_210, %broadcast_in_dim3A_218, %get3A_204 : vector<16xi1>, vector<16xf32>
      %max3A_220 = arith.maximumf %max3A_199, %select_n3A_219 : vector<16xf32>
      %add3A_221 = arith.constant 112 : i32
      %add3A_222 = arith.addi %mul3A_77, %add3A_221 : i32
      %get3A_223 = arith.index_cast %add3A_222 : i32 to index
      %get3A_224 = tpu.vector_load %arg6[%get3A_223] {strides = array<i32>} : memref<8736xf32, #tpu.memory_space<vmem>>, vector<16xf32>,
      %get3A_225 = vector.shape_cast %get3A_224 : vector<16xf32> to vector<16xf32>
      %add3A_226 = arith.constant 112 : i32
      %add3A_227 = arith.addi %mul3A_77, %add3A_226 : i32
      %get3A_228 = arith.index_cast %add3A_227 : i32 to index
      %get3A_229 = tpu.vector_load %arg7[%get3A_228] {strides = array<i32>} : memref<8736xi32, #tpu.memory_space<vmem>>, vector<16xi32>,
      %get3A_230 = vector.shape_cast %get3A_229 : vector<16xi32> to vector<16xi32>
      %gt3A_231 = arith.cmpi sgt, %get3A_230, %scan3A_16 : vector<16xi32>
      %jit3A_232 = arith.constant 0.000000e+00 : f32
      %broadcast_in_dim3A_233 = vector.broadcast %jit3A_232 : f32 to vector<16xf32>
      %select_n3A_234 = arith.select %gt3A_231, %get3A_225, %broadcast_in_dim3A_233 : vector<16xi1>, vector<16xf32>
      %add3A_235 = arith.addf %add3A_214, %select_n3A_234 : vector<16xf32>
      %select_n3A_236 = arith.select %gt3A_231, %broadcast_in_dim3A_8, %broadcast_in_dim3A_10 : vector<16xi1>, vector<16xi32>
      %add3A_237 = arith.addi %add3A_216, %select_n3A_236 : vector<16xi32>
      %jit3A_238 = arith.constant -1.000000e+00 : f32
      %broadcast_in_dim3A_239 = vector.broadcast %jit3A_238 : f32 to vector<16xf32>
      %select_n3A_240 = arith.select %gt3A_231, %broadcast_in_dim3A_239, %get3A_225 : vector<16xi1>, vector<16xf32>
      %max3A_241 = arith.maximumf %max3A_220, %select_n3A_240 : vector<16xf32>
      %add3A_242 = arith.constant 128 : i32
      %add3A_243 = arith.addi %mul3A_77, %add3A_242 : i32
      %get3A_244 = arith.index_cast %add3A_243 : i32 to index
      %get3A_245 = tpu.vector_load %arg6[%get3A_244] {strides = array<i32>} : memref<8736xf32, #tpu.memory_space<vmem>>, vector<16xf32>,
      %get3A_246 = vector.shape_cast %get3A_245 : vector<16xf32> to vector<16xf32>
      %add3A_247 = arith.constant 128 : i32
      %add3A_248 = arith.addi %mul3A_77, %add3A_247 : i32
      %get3A_249 = arith.index_cast %add3A_248 : i32 to index
      %get3A_250 = tpu.vector_load %arg7[%get3A_249] {strides = array<i32>} : memref<8736xi32, #tpu.memory_space<vmem>>, vector<16xi32>,
      %get3A_251 = vector.shape_cast %get3A_250 : vector<16xi32> to vector<16xi32>
      %gt3A_252 = arith.cmpi sgt, %get3A_251, %scan3A_16 : vector<16xi32>
      %jit3A_253 = arith.constant 0.000000e+00 : f32
      %broadcast_in_dim3A_254 = vector.broadcast %jit3A_253 : f32 to vector<16xf32>
      %select_n3A_255 = arith.select %gt3A_252, %get3A_246, %broadcast_in_dim3A_254 : vector<16xi1>, vector<16xf32>
      %add3A_256 = arith.addf %add3A_235, %select_n3A_255 : vector<16xf32>
      %select_n3A_257 = arith.select %gt3A_252, %broadcast_in_dim3A_8, %broadcast_in_dim3A_10 : vector<16xi1>, vector<16xi32>
      %add3A_258 = arith.addi %add3A_237, %select_n3A_257 : vector<16xi32>
      %jit3A_259 = arith.constant -1.000000e+00 : f32
      %broadcast_in_dim3A_260 = vector.broadcast %jit3A_259 : f32 to vector<16xf32>
      %select_n3A_261 = arith.select %gt3A_252, %broadcast_in_dim3A_260, %get3A_246 : vector<16xi1>, vector<16xf32>
      %max3A_262 = arith.maximumf %max3A_241, %select_n3A_261 : vector<16xf32>
      %add3A_263 = arith.constant 144 : i32
      %add3A_264 = arith.addi %mul3A_77, %add3A_263 : i32
      %get3A_265 = arith.index_cast %add3A_264 : i32 to index
      %get3A_266 = tpu.vector_load %arg6[%get3A_265] {strides = array<i32>} : memref<8736xf32, #tpu.memory_space<vmem>>, vector<16xf32>,
      %get3A_267 = vector.shape_cast %get3A_266 : vector<16xf32> to vector<16xf32>
      %add3A_268 = arith.constant 144 : i32
      %add3A_269 = arith.addi %mul3A_77, %add3A_268 : i32
      %get3A_270 = arith.index_cast %add3A_269 : i32 to index
      %get3A_271 = tpu.vector_load %arg7[%get3A_270] {strides = array<i32>} : memref<8736xi32, #tpu.memory_space<vmem>>, vector<16xi32>,
      %get3A_272 = vector.shape_cast %get3A_271 : vector<16xi32> to vector<16xi32>
      %gt3A_273 = arith.cmpi sgt, %get3A_272, %scan3A_16 : vector<16xi32>
      %jit3A_274 = arith.constant 0.000000e+00 : f32
      %broadcast_in_dim3A_275 = vector.broadcast %jit3A_274 : f32 to vector<16xf32>
      %select_n3A_276 = arith.select %gt3A_273, %get3A_267, %broadcast_in_dim3A_275 : vector<16xi1>, vector<16xf32>
      %add3A_277 = arith.addf %add3A_256, %select_n3A_276 : vector<16xf32>
      %select_n3A_278 = arith.select %gt3A_273, %broadcast_in_dim3A_8, %broadcast_in_dim3A_10 : vector<16xi1>, vector<16xi32>
      %add3A_279 = arith.addi %add3A_258, %select_n3A_278 : vector<16xi32>
      %jit3A_280 = arith.constant -1.000000e+00 : f32
      %broadcast_in_dim3A_281 = vector.broadcast %jit3A_280 : f32 to vector<16xf32>
      %select_n3A_282 = arith.select %gt3A_273, %broadcast_in_dim3A_281, %get3A_267 : vector<16xi1>, vector<16xf32>
      %max3A_283 = arith.maximumf %max3A_262, %select_n3A_282 : vector<16xf32>
      %add3A_284 = arith.constant 160 : i32
      %add3A_285 = arith.addi %mul3A_77, %add3A_284 : i32
      %get3A_286 = arith.index_cast %add3A_285 : i32 to index
      %get3A_287 = tpu.vector_load %arg6[%get3A_286] {strides = array<i32>} : memref<8736xf32, #tpu.memory_space<vmem>>, vector<16xf32>,
      %get3A_288 = vector.shape_cast %get3A_287 : vector<16xf32> to vector<16xf32>
      %add3A_289 = arith.constant 160 : i32
      %add3A_290 = arith.addi %mul3A_77, %add3A_289 : i32
      %get3A_291 = arith.index_cast %add3A_290 : i32 to index
      %get3A_292 = tpu.vector_load %arg7[%get3A_291] {strides = array<i32>} : memref<8736xi32, #tpu.memory_space<vmem>>, vector<16xi32>,
      %get3A_293 = vector.shape_cast %get3A_292 : vector<16xi32> to vector<16xi32>
      %gt3A_294 = arith.cmpi sgt, %get3A_293, %scan3A_16 : vector<16xi32>
      %jit3A_295 = arith.constant 0.000000e+00 : f32
      %broadcast_in_dim3A_296 = vector.broadcast %jit3A_295 : f32 to vector<16xf32>
      %select_n3A_297 = arith.select %gt3A_294, %get3A_288, %broadcast_in_dim3A_296 : vector<16xi1>, vector<16xf32>
      %add3A_298 = arith.addf %add3A_277, %select_n3A_297 : vector<16xf32>
      %select_n3A_299 = arith.select %gt3A_294, %broadcast_in_dim3A_8, %broadcast_in_dim3A_10 : vector<16xi1>, vector<16xi32>
      %add3A_300 = arith.addi %add3A_279, %select_n3A_299 : vector<16xi32>
      %jit3A_301 = arith.constant -1.000000e+00 : f32
      %broadcast_in_dim3A_302 = vector.broadcast %jit3A_301 : f32 to vector<16xf32>
      %select_n3A_303 = arith.select %gt3A_294, %broadcast_in_dim3A_302, %get3A_288 : vector<16xi1>, vector<16xf32>
      %max3A_304 = arith.maximumf %max3A_283, %select_n3A_303 : vector<16xf32>
      %add3A_305 = arith.constant 176 : i32
      %add3A_306 = arith.addi %mul3A_77, %add3A_305 : i32
      %get3A_307 = arith.index_cast %add3A_306 : i32 to index
      %get3A_308 = tpu.vector_load %arg6[%get3A_307] {strides = array<i32>} : memref<8736xf32, #tpu.memory_space<vmem>>, vector<16xf32>,
      %get3A_309 = vector.shape_cast %get3A_308 : vector<16xf32> to vector<16xf32>
      %add3A_310 = arith.constant 176 : i32
      %add3A_311 = arith.addi %mul3A_77, %add3A_310 : i32
      %get3A_312 = arith.index_cast %add3A_311 : i32 to index
      %get3A_313 = tpu.vector_load %arg7[%get3A_312] {strides = array<i32>} : memref<8736xi32, #tpu.memory_space<vmem>>, vector<16xi32>,
      %get3A_314 = vector.shape_cast %get3A_313 : vector<16xi32> to vector<16xi32>
      %gt3A_315 = arith.cmpi sgt, %get3A_314, %scan3A_16 : vector<16xi32>
      %jit3A_316 = arith.constant 0.000000e+00 : f32
      %broadcast_in_dim3A_317 = vector.broadcast %jit3A_316 : f32 to vector<16xf32>
      %select_n3A_318 = arith.select %gt3A_315, %get3A_309, %broadcast_in_dim3A_317 : vector<16xi1>, vector<16xf32>
      %add3A_319 = arith.addf %add3A_298, %select_n3A_318 : vector<16xf32>
      %select_n3A_320 = arith.select %gt3A_315, %broadcast_in_dim3A_8, %broadcast_in_dim3A_10 : vector<16xi1>, vector<16xi32>
      %add3A_321 = arith.addi %add3A_300, %select_n3A_320 : vector<16xi32>
      %jit3A_322 = arith.constant -1.000000e+00 : f32
      %broadcast_in_dim3A_323 = vector.broadcast %jit3A_322 : f32 to vector<16xf32>
      %select_n3A_324 = arith.select %gt3A_315, %broadcast_in_dim3A_323, %get3A_309 : vector<16xi1>, vector<16xf32>
      %max3A_325 = arith.maximumf %max3A_304, %select_n3A_324 : vector<16xf32>
      %add3A_326 = arith.constant 192 : i32
      %add3A_327 = arith.addi %mul3A_77, %add3A_326 : i32
      %get3A_328 = arith.index_cast %add3A_327 : i32 to index
      %get3A_329 = tpu.vector_load %arg6[%get3A_328] {strides = array<i32>} : memref<8736xf32, #tpu.memory_space<vmem>>, vector<16xf32>,
      %get3A_330 = vector.shape_cast %get3A_329 : vector<16xf32> to vector<16xf32>
      %add3A_331 = arith.constant 192 : i32
      %add3A_332 = arith.addi %mul3A_77, %add3A_331 : i32
      %get3A_333 = arith.index_cast %add3A_332 : i32 to index
      %get3A_334 = tpu.vector_load %arg7[%get3A_333] {strides = array<i32>} : memref<8736xi32, #tpu.memory_space<vmem>>, vector<16xi32>,
      %get3A_335 = vector.shape_cast %get3A_334 : vector<16xi32> to vector<16xi32>
      %gt3A_336 = arith.cmpi sgt, %get3A_335, %scan3A_16 : vector<16xi32>
      %jit3A_337 = arith.constant 0.000000e+00 : f32
      %broadcast_in_dim3A_338 = vector.broadcast %jit3A_337 : f32 to vector<16xf32>
      %select_n3A_339 = arith.select %gt3A_336, %get3A_330, %broadcast_in_dim3A_338 : vector<16xi1>, vector<16xf32>
      %add3A_340 = arith.addf %add3A_319, %select_n3A_339 : vector<16xf32>
      %select_n3A_341 = arith.select %gt3A_336, %broadcast_in_dim3A_8, %broadcast_in_dim3A_10 : vector<16xi1>, vector<16xi32>
      %add3A_342 = arith.addi %add3A_321, %select_n3A_341 : vector<16xi32>
      %jit3A_343 = arith.constant -1.000000e+00 : f32
      %broadcast_in_dim3A_344 = vector.broadcast %jit3A_343 : f32 to vector<16xf32>
      %select_n3A_345 = arith.select %gt3A_336, %broadcast_in_dim3A_344, %get3A_330 : vector<16xi1>, vector<16xf32>
      %max3A_346 = arith.maximumf %max3A_325, %select_n3A_345 : vector<16xf32>
      scf.yield %add3A_340, %add3A_342, %max3A_346 : vector<16xf32>, vector<16xi32>, vector<16xf32>
    }
    %scan3A_29 = arith.constant 42 : i32
    %swap3A = arith.constant 0 : index
    %swap3A_30 = tpu.vector_load %arg9[%swap3A] {strides = array<i32>} : memref<48xf32, #tpu.memory_space<vmem>>, vector<16xf32>,
    %swap3A_31 = vector.shape_cast %swap3A_30 : vector<16xf32> to vector<16xf32>
    %swap3A_32 = vector.shape_cast %scan3A_28#0 : vector<16xf32> to vector<16xf32>
    tpu.vector_store %arg9[%swap3A], %swap3A_32 {strides = array<i32>} : memref<48xf32, #tpu.memory_space<vmem>>, vector<16xf32>,
    %swap3A_33 = arith.constant 16 : index
    %swap3A_34 = tpu.vector_load %arg9[%swap3A_33] {strides = array<i32>} : memref<48xf32, #tpu.memory_space<vmem>>, vector<16xf32>,
    %swap3A_35 = vector.shape_cast %swap3A_34 : vector<16xf32> to vector<16xf32>
    %swap3A_36 = vector.shape_cast %scan3A_28#2 : vector<16xf32> to vector<16xf32>
    tpu.vector_store %arg9[%swap3A_33], %swap3A_36 {strides = array<i32>} : memref<48xf32, #tpu.memory_space<vmem>>, vector<16xf32>,
    %iota3A = tpu.iota {dimensions = array<i32: 0>} : vector<16xi32>
    %xor3A = arith.constant 8 : i32
    %xor3A_37 = vector.broadcast %xor3A : i32 to vector<16xi32>
    %xor3A_38 = arith.xori %iota3A, %xor3A_37 : vector<16xi32>
    %broadcast_in_dim3A_39 = vector.shape_cast %xor3A_38 : vector<16xi32> to vector<16x1xi32>
    %gather3A = vector.shape_cast %broadcast_in_dim3A_39 : vector<16x1xi32> to vector<16xi32>
    %gather3A_40 = tpu.dynamic_gather %scan3A_28#1[%gather3A] in [0] : vector<16xi32>, vector<16xi32> -> vector<16xi32>
    %add3A_41 = arith.addi %scan3A_28#1, %gather3A_40 : vector<16xi32>
    %iota3A_42 = tpu.iota {dimensions = array<i32: 0>} : vector<16xi32>
    %xor3A_43 = arith.constant 4 : i32
    %xor3A_44 = vector.broadcast %xor3A_43 : i32 to vector<16xi32>
    %xor3A_45 = arith.xori %iota3A_42, %xor3A_44 : vector<16xi32>
    %broadcast_in_dim3A_46 = vector.shape_cast %xor3A_45 : vector<16xi32> to vector<16x1xi32>
    %gather3A_47 = vector.shape_cast %broadcast_in_dim3A_46 : vector<16x1xi32> to vector<16xi32>
    %gather3A_48 = tpu.dynamic_gather %add3A_41[%gather3A_47] in [0] : vector<16xi32>, vector<16xi32> -> vector<16xi32>
    %add3A_49 = arith.addi %add3A_41, %gather3A_48 : vector<16xi32>
    %iota3A_50 = tpu.iota {dimensions = array<i32: 0>} : vector<16xi32>
    %xor3A_51 = arith.constant 2 : i32
    %xor3A_52 = vector.broadcast %xor3A_51 : i32 to vector<16xi32>
    %xor3A_53 = arith.xori %iota3A_50, %xor3A_52 : vector<16xi32>
    %broadcast_in_dim3A_54 = vector.shape_cast %xor3A_53 : vector<16xi32> to vector<16x1xi32>
    %gather3A_55 = vector.shape_cast %broadcast_in_dim3A_54 : vector<16x1xi32> to vector<16xi32>
    %gather3A_56 = tpu.dynamic_gather %add3A_49[%gather3A_55] in [0] : vector<16xi32>, vector<16xi32> -> vector<16xi32>
    %add3A_57 = arith.addi %add3A_49, %gather3A_56 : vector<16xi32>
    %iota3A_58 = tpu.iota {dimensions = array<i32: 0>} : vector<16xi32>
    %xor3A_59 = arith.constant 1 : i32
    %xor3A_60 = vector.broadcast %xor3A_59 : i32 to vector<16xi32>
    %xor3A_61 = arith.xori %iota3A_58, %xor3A_60 : vector<16xi32>
    %broadcast_in_dim3A_62 = vector.shape_cast %xor3A_61 : vector<16xi32> to vector<16x1xi32>
    %gather3A_63 = vector.shape_cast %broadcast_in_dim3A_62 : vector<16x1xi32> to vector<16xi32>
    %gather3A_64 = tpu.dynamic_gather %add3A_57[%gather3A_63] in [0] : vector<16xi32>, vector<16xi32> -> vector<16xi32>
    %add3A_65 = arith.addi %add3A_57, %gather3A_64 : vector<16xi32>
    %sub3A_66 = arith.subi %min3A, %add3A_65 : vector<16xi32>
    %convert_element_type3A_67 = arith.sitofp %sub3A_66 : vector<16xi32> to vector<16xf32>
    %swap3A_68 = arith.constant 32 : index
    %swap3A_69 = tpu.vector_load %arg9[%swap3A_68] {strides = array<i32>} : memref<48xf32, #tpu.memory_space<vmem>>, vector<16xf32>,
    %swap3A_70 = vector.shape_cast %swap3A_69 : vector<16xf32> to vector<16xf32>
    %swap3A_71 = vector.shape_cast %convert_element_type3A_67 : vector<16xf32> to vector<16xf32>
    tpu.vector_store %arg9[%swap3A_68], %swap3A_71 {strides = array<i32>} : memref<48xf32, #tpu.memory_space<vmem>>, vector<16xf32>,
    "tpu.region"() ({
      %run_scoped3A = tpu.sem_alloc : memref<!tpu.dma_semaphore, #tpu.memory_space<semaphore_mem>>
      %dma_start3A = arith.constant 0 : i32
      %dma_start3A_72 = tpu.memref_slice %arg5[%add3A, %dma_start3A] : memref<32x48xf32, #tpu.memory_space<hbm>> -> memref<1x48xf32, #tpu.memory_space<hbm>>
      %dma_start3A_73 = tpu.memref_squeeze %dma_start3A_72 : memref<1x48xf32, #tpu.memory_space<hbm>> -> memref<48xf32, #tpu.memory_space<hbm>>
      %dma_start3A_74 = arith.constant 0 : i32
      %dma_start3A_75 = tpu.memref_slice %arg5[%add3A, %dma_start3A_74] : memref<32x48xf32, #tpu.memory_space<hbm>> -> memref<1x48xf32, #tpu.memory_space<hbm>>
      %dma_start3A_76 = tpu.memref_squeeze %dma_start3A_75 : memref<1x48xf32, #tpu.memory_space<hbm>> -> memref<48xf32, #tpu.memory_space<hbm>>
      tpu.enqueue_dma source(%arg9 : memref<48xf32, #tpu.memory_space<vmem>>) target(%dma_start3A_76 : memref<48xf32, #tpu.memory_space<hbm>>) target_semaphore(%run_scoped3A : memref<!tpu.dma_semaphore, #tpu.memory_space<semaphore_mem>>)
      %dma_wait3A = arith.constant 0 : i32
      %dma_wait3A_77 = tpu.memref_slice %arg5[%add3A, %dma_wait3A] : memref<32x48xf32, #tpu.memory_space<hbm>> -> memref<1x48xf32, #tpu.memory_space<hbm>>
      %dma_wait3A_78 = tpu.memref_squeeze %dma_wait3A_77 : memref<1x48xf32, #tpu.memory_space<hbm>> -> memref<48xf32, #tpu.memory_space<hbm>>
      %dma_wait3A_79 = arith.constant 0 : i32
      %dma_wait3A_80 = tpu.memref_slice %arg5[%add3A, %dma_wait3A_79] : memref<32x48xf32, #tpu.memory_space<hbm>> -> memref<1x48xf32, #tpu.memory_space<hbm>>
      %dma_wait3A_81 = tpu.memref_squeeze %dma_wait3A_80 : memref<1x48xf32, #tpu.memory_space<hbm>> -> memref<48xf32, #tpu.memory_space<hbm>>
      tpu.wait_dma2 semaphore(%run_scoped3A : memref<!tpu.dma_semaphore, #tpu.memory_space<semaphore_mem>>) src(%arg9 : memref<48xf32, #tpu.memory_space<vmem>>) dst(%dma_wait3A_81 : memref<48xf32, #tpu.memory_space<hbm>>)
      tpu.yield
    }) : () -> ()
    return
  }
}

module attributes {stable_mosaic.version = 14 : i64} {
  func.func @_stage1(%arg0: i32, %arg1: memref<1x81x8732xf32, #tpu.memory_space<vmem>>, %arg2: memref<1x4x8732xf32, #tpu.memory_space<vmem>>, %arg3: memref<1x4x8732xf32, #tpu.memory_space<vmem>>, %arg4: memref<1x1x8732xi32, #tpu.memory_space<vmem>>, %arg5: memref<1x1x8736xf32, #tpu.memory_space<vmem>>, %arg6: memref<1x1x8736xi32, #tpu.memory_space<vmem>>, %arg7: memref<1x1x8732xf32, #tpu.memory_space<vmem>>, %arg8: memref<1x1x8732xf32, #tpu.memory_space<vmem>>, %arg9: memref<1x1x128xf32, #tpu.memory_space<vmem>>) attributes {dimension_semantics = [#tpu.dimension_semantics<arbitrary>], iteration_bounds = array<i64: 32>, scalar_prefetch = 0 : i64, scratch_operands = 0 : i64, tpu.core_type = #tpu.core_type<tc>, window_params = [{transform_indices = @transform_0, window_bounds = array<i64: 1, 81, 8732>}, {transform_indices = @transform_1, window_bounds = array<i64: 1, 4, 8732>}, {transform_indices = @transform_2, window_bounds = array<i64: 1, 4, 8732>}, {transform_indices = @transform_3, window_bounds = array<i64: 1, 1, 8732>}, {transform_indices = @transform_4, window_bounds = array<i64: 1, 1, 8736>}, {transform_indices = @transform_5, window_bounds = array<i64: 1, 1, 8736>}, {transform_indices = @transform_6, window_bounds = array<i64: 1, 1, 8732>}, {transform_indices = @transform_7, window_bounds = array<i64: 1, 1, 8732>}, {transform_indices = @transform_8, window_bounds = array<i64: 1, 1, 128>}]} {
    %get3A = arith.constant 0 : index
    %get3A_0 = arith.constant 0 : index
    %get3A_1 = arith.constant 0 : index
    %get3A_2 = vector.load %arg1[%get3A, %get3A_0, %get3A_1] : memref<1x81x8732xf32, #tpu.memory_space<vmem>>, vector<1x81x8732xf32>
    %get3A_3 = vector.shape_cast %get3A_2 : vector<1x81x8732xf32> to vector<81x8732xf32>
    %get3A_4 = arith.constant 0 : index
    %get3A_5 = arith.constant 0 : index
    %get3A_6 = arith.constant 0 : index
    %get3A_7 = vector.load %arg4[%get3A_4, %get3A_5, %get3A_6] : memref<1x1x8732xi32, #tpu.memory_space<vmem>>, vector<1x1x8732xi32>
    %get3A_8 = vector.shape_cast %get3A_7 : vector<1x1x8732xi32> to vector<8732xi32>
    %reduce_max3A = arith.constant dense<0xFF800000> : vector<8732xf32>
    %reduce_max3A_9 = vector.multi_reduction <maximumf>, %get3A_3, %reduce_max3A [0] : vector<81x8732xf32> to vector<8732xf32>
    %broadcast_in_dim3A = vector.shape_cast %reduce_max3A_9 : vector<8732xf32> to vector<1x8732xf32>
    %sub3A = vector.broadcast %broadcast_in_dim3A : vector<1x8732xf32> to vector<81x8732xf32>
    %sub3A_10 = arith.subf %get3A_3, %sub3A : vector<81x8732xf32>
    %exp3A = math.exp %sub3A_10 : vector<81x8732xf32>
    %reduce_sum3A = arith.constant dense<0.000000e+00> : vector<8732xf32>
    %reduce_sum3A_11 = vector.multi_reduction <add>, %exp3A, %reduce_sum3A [0] : vector<81x8732xf32> to vector<8732xf32>
    %log3A = math.log %reduce_sum3A_11 : vector<8732xf32>
    %add3A = arith.addf %reduce_max3A_9, %log3A : vector<8732xf32>
    %iota3A = tpu.iota {dimensions = array<i32: 0>} : vector<81x8732xi32>
    %broadcast_in_dim3A_12 = vector.shape_cast %get3A_8 : vector<8732xi32> to vector<1x8732xi32>
    %eq3A = vector.broadcast %broadcast_in_dim3A_12 : vector<1x8732xi32> to vector<81x8732xi32>
    %eq3A_13 = arith.cmpi eq, %iota3A, %eq3A : vector<81x8732xi32>
    %jit3A = arith.constant 0.000000e+00 : f32
    %broadcast_in_dim3A_14 = vector.broadcast %jit3A : f32 to vector<81x8732xf32>
    %select_n3A = arith.select %eq3A_13, %get3A_3, %broadcast_in_dim3A_14 : vector<81x8732xi1>, vector<81x8732xf32>
    %reduce_sum3A_15 = arith.constant dense<0.000000e+00> : vector<8732xf32>
    %reduce_sum3A_16 = vector.multi_reduction <add>, %select_n3A, %reduce_sum3A_15 [0] : vector<81x8732xf32> to vector<8732xf32>
    %gt3A = arith.constant 0 : i32
    %gt3A_17 = vector.broadcast %gt3A : i32 to vector<8732xi32>
    %gt3A_18 = arith.cmpi sgt, %get3A_8, %gt3A_17 : vector<8732xi32>
    %slice3A = vector.extract_strided_slice %get3A_3 {offsets = [0, 0], sizes = [1, 8732], strides = [1, 1]} : vector<81x8732xf32> to vector<1x8732xf32>
    %squeeze3A = vector.shape_cast %slice3A : vector<1x8732xf32> to vector<8732xf32>
    %sub3A_19 = arith.subf %add3A, %squeeze3A : vector<8732xf32>
    %jit3A_20 = arith.constant 0.000000e+00 : f32
    %broadcast_in_dim3A_21 = vector.broadcast %jit3A_20 : f32 to vector<8732xf32>
    %select_n3A_22 = arith.select %gt3A_18, %broadcast_in_dim3A_21, %sub3A_19 : vector<8732xi1>, vector<8732xf32>
    %broadcast_in_dim3A_23 = arith.constant 0.000000e+00 : f32
    %broadcast_in_dim3A_24 = vector.broadcast %broadcast_in_dim3A_23 : f32 to vector<8xf32>
    %swap3A = arith.constant 0 : index
    %swap3A_25 = arith.constant 0 : index
    %swap3A_26 = arith.constant 8728 : index
    %swap3A_27 = vector.load %arg5[%swap3A, %swap3A_25, %swap3A_26] : memref<1x1x8736xf32, #tpu.memory_space<vmem>>, vector<1x1x8xf32>
    %swap3A_28 = vector.shape_cast %swap3A_27 : vector<1x1x8xf32> to vector<8xf32>
    %swap3A_29 = vector.shape_cast %broadcast_in_dim3A_24 : vector<8xf32> to vector<1x1x8xf32>
    tpu.vector_store %arg5[%swap3A, %swap3A_25, %swap3A_26], %swap3A_29 {strides = array<i32>} : memref<1x1x8736xf32, #tpu.memory_space<vmem>>, vector<1x1x8xf32>,
    %swap3A_30 = arith.constant 0 : index
    %swap3A_31 = arith.constant 0 : index
    %swap3A_32 = arith.constant 0 : index
    %swap3A_33 = vector.load %arg5[%swap3A_30, %swap3A_31, %swap3A_32] : memref<1x1x8736xf32, #tpu.memory_space<vmem>>, vector<1x1x8732xf32>
    %swap3A_34 = vector.shape_cast %swap3A_33 : vector<1x1x8732xf32> to vector<8732xf32>
    %swap3A_35 = vector.shape_cast %select_n3A_22 : vector<8732xf32> to vector<1x1x8732xf32>
    tpu.vector_store %arg5[%swap3A_30, %swap3A_31, %swap3A_32], %swap3A_35 {strides = array<i32>} : memref<1x1x8736xf32, #tpu.memory_space<vmem>>, vector<1x1x8732xf32>,
    %broadcast_in_dim3A_36 = arith.constant 0 : i32
    %broadcast_in_dim3A_37 = vector.broadcast %broadcast_in_dim3A_36 : i32 to vector<8xi32>
    %swap3A_38 = arith.constant 0 : index
    %swap3A_39 = arith.constant 0 : index
    %swap3A_40 = arith.constant 8728 : index
    %swap3A_41 = vector.load %arg6[%swap3A_38, %swap3A_39, %swap3A_40] : memref<1x1x8736xi32, #tpu.memory_space<vmem>>, vector<1x1x8xi32>
    %swap3A_42 = vector.shape_cast %swap3A_41 : vector<1x1x8xi32> to vector<8xi32>
    %swap3A_43 = vector.shape_cast %broadcast_in_dim3A_37 : vector<8xi32> to vector<1x1x8xi32>
    tpu.vector_store %arg6[%swap3A_38, %swap3A_39, %swap3A_40], %swap3A_43 {strides = array<i32>} : memref<1x1x8736xi32, #tpu.memory_space<vmem>>, vector<1x1x8xi32>,
    %bitcast_convert_type3A = tpu.bitcast %select_n3A_22 : vector<8732xf32> -> vector<8732xi32>
    %swap3A_44 = arith.constant 0 : index
    %swap3A_45 = arith.constant 0 : index
    %swap3A_46 = arith.constant 0 : index
    %swap3A_47 = vector.load %arg6[%swap3A_44, %swap3A_45, %swap3A_46] : memref<1x1x8736xi32, #tpu.memory_space<vmem>>, vector<1x1x8732xi32>
    %swap3A_48 = vector.shape_cast %swap3A_47 : vector<1x1x8732xi32> to vector<8732xi32>
    %swap3A_49 = vector.shape_cast %bitcast_convert_type3A : vector<8732xi32> to vector<1x1x8732xi32>
    tpu.vector_store %arg6[%swap3A_44, %swap3A_45, %swap3A_46], %swap3A_49 {strides = array<i32>} : memref<1x1x8736xi32, #tpu.memory_space<vmem>>, vector<1x1x8732xi32>,
    %sub3A_50 = arith.subf %add3A, %reduce_sum3A_16 : vector<8732xf32>
    %jit3A_51 = arith.constant 0.000000e+00 : f32
    %broadcast_in_dim3A_52 = vector.broadcast %jit3A_51 : f32 to vector<8732xf32>
    %select_n3A_53 = arith.select %gt3A_18, %sub3A_50, %broadcast_in_dim3A_52 : vector<8732xi1>, vector<8732xf32>
    %swap3A_54 = arith.constant 0 : index
    %swap3A_55 = arith.constant 0 : index
    %swap3A_56 = arith.constant 0 : index
    %swap3A_57 = vector.load %arg7[%swap3A_54, %swap3A_55, %swap3A_56] : memref<1x1x8732xf32, #tpu.memory_space<vmem>>, vector<1x1x8732xf32>
    %swap3A_58 = vector.shape_cast %swap3A_57 : vector<1x1x8732xf32> to vector<8732xf32>
    %swap3A_59 = vector.shape_cast %select_n3A_53 : vector<8732xf32> to vector<1x1x8732xf32>
    tpu.vector_store %arg7[%swap3A_54, %swap3A_55, %swap3A_56], %swap3A_59 {strides = array<i32>} : memref<1x1x8732xf32, #tpu.memory_space<vmem>>, vector<1x1x8732xf32>,
    %get3A_60 = arith.constant 0 : index
    %get3A_61 = arith.constant 0 : index
    %get3A_62 = arith.constant 0 : index
    %get3A_63 = vector.load %arg2[%get3A_60, %get3A_61, %get3A_62] : memref<1x4x8732xf32, #tpu.memory_space<vmem>>, vector<1x4x8732xf32>
    %get3A_64 = vector.shape_cast %get3A_63 : vector<1x4x8732xf32> to vector<4x8732xf32>
    %get3A_65 = arith.constant 0 : index
    %get3A_66 = arith.constant 0 : index
    %get3A_67 = arith.constant 0 : index
    %get3A_68 = vector.load %arg3[%get3A_65, %get3A_66, %get3A_67] : memref<1x4x8732xf32, #tpu.memory_space<vmem>>, vector<1x4x8732xf32>
    %get3A_69 = vector.shape_cast %get3A_68 : vector<1x4x8732xf32> to vector<4x8732xf32>
    %sub3A_70 = arith.subf %get3A_64, %get3A_69 : vector<4x8732xf32>
    %abs3A = math.absf %sub3A_70 : vector<4x8732xf32>
    %lt3A = arith.constant 1.000000e+00 : f32
    %lt3A_71 = vector.broadcast %lt3A : f32 to vector<4x8732xf32>
    %lt3A_72 = arith.cmpf olt, %abs3A, %lt3A_71 : vector<4x8732xf32>
    %mul3A = arith.constant 5.000000e-01 : f32
    %mul3A_73 = vector.broadcast %mul3A : f32 to vector<4x8732xf32>
    %mul3A_74 = arith.mulf %mul3A_73, %sub3A_70 : vector<4x8732xf32>
    %mul3A_75 = arith.mulf %mul3A_74, %sub3A_70 : vector<4x8732xf32>
    %sub3A_76 = arith.constant 5.000000e-01 : f32
    %sub3A_77 = vector.broadcast %sub3A_76 : f32 to vector<4x8732xf32>
    %sub3A_78 = arith.subf %abs3A, %sub3A_77 : vector<4x8732xf32>
    %select_n3A_79 = arith.select %lt3A_72, %mul3A_75, %sub3A_78 : vector<4x8732xi1>, vector<4x8732xf32>
    %reduce_sum3A_80 = arith.constant dense<0.000000e+00> : vector<8732xf32>
    %reduce_sum3A_81 = vector.multi_reduction <add>, %select_n3A_79, %reduce_sum3A_80 [0] : vector<4x8732xf32> to vector<8732xf32>
    %jit3A_82 = arith.constant 0.000000e+00 : f32
    %broadcast_in_dim3A_83 = vector.broadcast %jit3A_82 : f32 to vector<8732xf32>
    %select_n3A_84 = arith.select %gt3A_18, %reduce_sum3A_81, %broadcast_in_dim3A_83 : vector<8732xi1>, vector<8732xf32>
    %swap3A_85 = arith.constant 0 : index
    %swap3A_86 = arith.constant 0 : index
    %swap3A_87 = arith.constant 0 : index
    %swap3A_88 = vector.load %arg8[%swap3A_85, %swap3A_86, %swap3A_87] : memref<1x1x8732xf32, #tpu.memory_space<vmem>>, vector<1x1x8732xf32>
    %swap3A_89 = vector.shape_cast %swap3A_88 : vector<1x1x8732xf32> to vector<8732xf32>
    %swap3A_90 = vector.shape_cast %select_n3A_84 : vector<8732xf32> to vector<1x1x8732xf32>
    tpu.vector_store %arg8[%swap3A_85, %swap3A_86, %swap3A_87], %swap3A_90 {strides = array<i32>} : memref<1x1x8732xf32, #tpu.memory_space<vmem>>, vector<1x1x8732xf32>,
    %convert_element_type3A = arith.extui %gt3A_18 : vector<8732xi1> to vector<8732xi32>
    %convert_element_type3A_91 = arith.sitofp %convert_element_type3A : vector<8732xi32> to vector<8732xf32>
    %reduce_sum3A_92 = vector.shape_cast %convert_element_type3A_91 : vector<8732xf32> to vector<1x8732xf32>
    %reduce_sum3A_93 = arith.constant dense<0.000000e+00> : vector<1xf32>
    %reduce_sum3A_94 = vector.multi_reduction <add>, %reduce_sum3A_92, %reduce_sum3A_93 [1] : vector<1x8732xf32> to vector<1xf32>
    %reduce_sum3A_95 = vector.shape_cast %reduce_sum3A_94 : vector<1xf32> to vector<1x1xf32>
    %reduce_sum3A_96 = vector.extract %reduce_sum3A_95[0, 0] : f32 from vector<1x1xf32>
    %broadcast_in_dim3A_97 = vector.broadcast %reduce_sum3A_96 : f32 to vector<128xf32>
    %swap3A_98 = arith.constant 0 : index
    %swap3A_99 = arith.constant 0 : index
    %swap3A_100 = arith.constant 0 : index
    %swap3A_101 = vector.load %arg9[%swap3A_98, %swap3A_99, %swap3A_100] : memref<1x1x128xf32, #tpu.memory_space<vmem>>, vector<1x1x128xf32>
    %swap3A_102 = vector.shape_cast %swap3A_101 : vector<1x1x128xf32> to vector<128xf32>
    %swap3A_103 = vector.shape_cast %broadcast_in_dim3A_97 : vector<128xf32> to vector<1x1x128xf32>
    tpu.vector_store %arg9[%swap3A_98, %swap3A_99, %swap3A_100], %swap3A_103 {strides = array<i32>} : memref<1x1x128xf32, #tpu.memory_space<vmem>>, vector<1x1x128xf32>,
    return
  }
  func.func @transform_0(%arg0: i32) -> (i32, i32, i32) {
    %c0_i32 = arith.constant 0 : i32
    %c0_i32_0 = arith.constant 0 : i32
    %c0_i32_1 = arith.constant 0 : i32
    return %arg0, %c0_i32, %c0_i32_0 : i32, i32, i32
  }
  func.func @transform_1(%arg0: i32) -> (i32, i32, i32) {
    %c0_i32 = arith.constant 0 : i32
    %c0_i32_0 = arith.constant 0 : i32
    %c0_i32_1 = arith.constant 0 : i32
    return %arg0, %c0_i32, %c0_i32_0 : i32, i32, i32
  }
  func.func @transform_2(%arg0: i32) -> (i32, i32, i32) {
    %c0_i32 = arith.constant 0 : i32
    %c0_i32_0 = arith.constant 0 : i32
    %c0_i32_1 = arith.constant 0 : i32
    return %arg0, %c0_i32, %c0_i32_0 : i32, i32, i32
  }
  func.func @transform_3(%arg0: i32) -> (i32, i32, i32) {
    %c0_i32 = arith.constant 0 : i32
    %c0_i32_0 = arith.constant 0 : i32
    %c0_i32_1 = arith.constant 0 : i32
    return %arg0, %c0_i32, %c0_i32_0 : i32, i32, i32
  }
  func.func @transform_4(%arg0: i32) -> (i32, i32, i32) {
    %c0_i32 = arith.constant 0 : i32
    %c0_i32_0 = arith.constant 0 : i32
    %c0_i32_1 = arith.constant 0 : i32
    return %arg0, %c0_i32, %c0_i32_0 : i32, i32, i32
  }
  func.func @transform_5(%arg0: i32) -> (i32, i32, i32) {
    %c0_i32 = arith.constant 0 : i32
    %c0_i32_0 = arith.constant 0 : i32
    %c0_i32_1 = arith.constant 0 : i32
    return %arg0, %c0_i32, %c0_i32_0 : i32, i32, i32
  }
  func.func @transform_6(%arg0: i32) -> (i32, i32, i32) {
    %c0_i32 = arith.constant 0 : i32
    %c0_i32_0 = arith.constant 0 : i32
    %c0_i32_1 = arith.constant 0 : i32
    return %arg0, %c0_i32, %c0_i32_0 : i32, i32, i32
  }
  func.func @transform_7(%arg0: i32) -> (i32, i32, i32) {
    %c0_i32 = arith.constant 0 : i32
    %c0_i32_0 = arith.constant 0 : i32
    %c0_i32_1 = arith.constant 0 : i32
    return %arg0, %c0_i32, %c0_i32_0 : i32, i32, i32
  }
  func.func @transform_8(%arg0: i32) -> (i32, i32, i32) {
    %c0_i32 = arith.constant 0 : i32
    %c0_i32_0 = arith.constant 0 : i32
    %c0_i32_1 = arith.constant 0 : i32
    return %arg0, %c0_i32, %c0_i32_0 : i32, i32, i32
  }
}

module attributes {stable_mosaic.version = 14 : i64} {
  func.func @_final(%arg0: memref<32x1x8732xf32, #tpu.memory_space<vmem>>, %arg1: memref<32x1x8732xf32, #tpu.memory_space<vmem>>, %arg2: memref<32x1x8732xi32, #tpu.memory_space<vmem>>, %arg3: memref<32x48xf32, #tpu.memory_space<vmem>>, %arg4: memref<1x128xf32, #tpu.memory_space<vmem>>) attributes {dimension_semantics = [], scalar_prefetch = 0 : i64, scratch_operands = 0 : i64, tpu.core_type = #tpu.core_type<tc>} {
    %get3A = arith.constant 0 : index
    %get3A_0 = arith.constant 0 : index
    %get3A_1 = arith.constant 0 : index
    %get3A_2 = vector.load %arg2[%get3A, %get3A_0, %get3A_1] : memref<32x1x8732xi32, #tpu.memory_space<vmem>>, vector<32x1x8732xi32>
    %get3A_3 = vector.shape_cast %get3A_2 : vector<32x1x8732xi32> to vector<32x8732xi32>
    %gt3A = arith.constant 0 : i32
    %gt3A_4 = vector.broadcast %gt3A : i32 to vector<32x8732xi32>
    %gt3A_5 = arith.cmpi sgt, %get3A_3, %gt3A_4 : vector<32x8732xi32>
    %convert_element_type3A = arith.extui %gt3A_5 : vector<32x8732xi1> to vector<32x8732xi32>
    %convert_element_type3A_6 = arith.sitofp %convert_element_type3A : vector<32x8732xi32> to vector<32x8732xf32>
    %reduce_sum3A = vector.shape_cast %convert_element_type3A_6 : vector<32x8732xf32> to vector<1x32x8732xf32>
    %reduce_sum3A_7 = arith.constant dense<0.000000e+00> : vector<1xf32>
    %reduce_sum3A_8 = vector.multi_reduction <add>, %reduce_sum3A, %reduce_sum3A_7 [1, 2] : vector<1x32x8732xf32> to vector<1xf32>
    %reduce_sum3A_9 = vector.shape_cast %reduce_sum3A_8 : vector<1xf32> to vector<1x1x1xf32>
    %reduce_sum3A_10 = vector.extract %reduce_sum3A_9[0, 0, 0] : f32 from vector<1x1x1xf32>
    %get3A_11 = arith.constant 0 : index
    %get3A_12 = arith.constant 0 : index
    %get3A_13 = vector.load %arg3[%get3A_11, %get3A_12] : memref<32x48xf32, #tpu.memory_space<vmem>>, vector<32x48xf32>
    %slice3A = vector.extract_strided_slice %get3A_13 {offsets = [0, 16], sizes = [32, 16], strides = [1, 1]} : vector<32x48xf32> to vector<32x16xf32>
    %reduce_max3A = arith.constant dense<0xFF800000> : vector<32xf32>
    %reduce_max3A_14 = vector.multi_reduction <maximumf>, %slice3A, %reduce_max3A [1] : vector<32x16xf32> to vector<32xf32>
    %broadcast_in_dim3A = vector.shape_cast %reduce_max3A_14 : vector<32xf32> to vector<32x1xf32>
    %slice3A_15 = vector.extract_strided_slice %get3A_13 {offsets = [0, 0], sizes = [32, 16], strides = [1, 1]} : vector<32x48xf32> to vector<32x16xf32>
    %reduce_sum3A_16 = vector.shape_cast %slice3A_15 : vector<32x16xf32> to vector<1x32x16xf32>
    %reduce_sum3A_17 = arith.constant dense<0.000000e+00> : vector<1xf32>
    %reduce_sum3A_18 = vector.multi_reduction <add>, %reduce_sum3A_16, %reduce_sum3A_17 [1, 2] : vector<1x32x16xf32> to vector<1xf32>
    %reduce_sum3A_19 = vector.shape_cast %reduce_sum3A_18 : vector<1xf32> to vector<1x1x1xf32>
    %reduce_sum3A_20 = vector.extract %reduce_sum3A_19[0, 0, 0] : f32 from vector<1x1x1xf32>
    %slice3A_21 = vector.extract_strided_slice %get3A_13 {offsets = [0, 32], sizes = [32, 1], strides = [1, 1]} : vector<32x48xf32> to vector<32x1xf32>
    %mul3A = arith.mulf %broadcast_in_dim3A, %slice3A_21 : vector<32x1xf32>
    %reduce_sum3A_22 = vector.shape_cast %mul3A : vector<32x1xf32> to vector<1x32x1xf32>
    %reduce_sum3A_23 = arith.constant dense<0.000000e+00> : vector<1xf32>
    %reduce_sum3A_24 = vector.multi_reduction <add>, %reduce_sum3A_22, %reduce_sum3A_23 [1, 2] : vector<1x32x1xf32> to vector<1xf32>
    %reduce_sum3A_25 = vector.shape_cast %reduce_sum3A_24 : vector<1xf32> to vector<1x1x1xf32>
    %reduce_sum3A_26 = vector.extract %reduce_sum3A_25[0, 0, 0] : f32 from vector<1x1x1xf32>
    %add3A = arith.addf %reduce_sum3A_20, %reduce_sum3A_26 : f32
    %get3A_27 = arith.constant 0 : index
    %get3A_28 = arith.constant 0 : index
    %get3A_29 = arith.constant 0 : index
    %get3A_30 = vector.load %arg0[%get3A_27, %get3A_28, %get3A_29] : memref<32x1x8732xf32, #tpu.memory_space<vmem>>, vector<32x1x8732xf32>
    %get3A_31 = vector.shape_cast %get3A_30 : vector<32x1x8732xf32> to vector<32x8732xf32>
    %reduce_sum3A_32 = vector.shape_cast %get3A_31 : vector<32x8732xf32> to vector<1x32x8732xf32>
    %reduce_sum3A_33 = arith.constant dense<0.000000e+00> : vector<1xf32>
    %reduce_sum3A_34 = vector.multi_reduction <add>, %reduce_sum3A_32, %reduce_sum3A_33 [1, 2] : vector<1x32x8732xf32> to vector<1xf32>
    %reduce_sum3A_35 = vector.shape_cast %reduce_sum3A_34 : vector<1xf32> to vector<1x1x1xf32>
    %reduce_sum3A_36 = vector.extract %reduce_sum3A_35[0, 0, 0] : f32 from vector<1x1x1xf32>
    %add3A_37 = arith.addf %reduce_sum3A_36, %add3A : f32
    %get3A_38 = arith.constant 0 : index
    %get3A_39 = arith.constant 0 : index
    %get3A_40 = arith.constant 0 : index
    %get3A_41 = vector.load %arg1[%get3A_38, %get3A_39, %get3A_40] : memref<32x1x8732xf32, #tpu.memory_space<vmem>>, vector<32x1x8732xf32>
    %get3A_42 = vector.shape_cast %get3A_41 : vector<32x1x8732xf32> to vector<32x8732xf32>
    %reduce_sum3A_43 = vector.shape_cast %get3A_42 : vector<32x8732xf32> to vector<1x32x8732xf32>
    %reduce_sum3A_44 = arith.constant dense<0.000000e+00> : vector<1xf32>
    %reduce_sum3A_45 = vector.multi_reduction <add>, %reduce_sum3A_43, %reduce_sum3A_44 [1, 2] : vector<1x32x8732xf32> to vector<1xf32>
    %reduce_sum3A_46 = vector.shape_cast %reduce_sum3A_45 : vector<1xf32> to vector<1x1x1xf32>
    %reduce_sum3A_47 = vector.extract %reduce_sum3A_46[0, 0, 0] : f32 from vector<1x1x1xf32>
    %div3A = arith.divf %reduce_sum3A_47, %reduce_sum3A_10 : f32
    %div3A_48 = arith.divf %add3A_37, %reduce_sum3A_10 : f32
    %iota3A = tpu.iota {dimensions = array<i32: 1>} : vector<1x128xi32>
    %eq3A = arith.constant 0 : i32
    %eq3A_49 = vector.broadcast %eq3A : i32 to vector<1x128xi32>
    %eq3A_50 = arith.cmpi eq, %iota3A, %eq3A_49 : vector<1x128xi32>
    %add3A_51 = arith.addf %div3A, %div3A_48 : f32
    %eq3A_52 = arith.constant 1 : i32
    %eq3A_53 = vector.broadcast %eq3A_52 : i32 to vector<1x128xi32>
    %eq3A_54 = arith.cmpi eq, %iota3A, %eq3A_53 : vector<1x128xi32>
    %eq3A_55 = arith.constant 2 : i32
    %eq3A_56 = vector.broadcast %eq3A_55 : i32 to vector<1x128xi32>
    %eq3A_57 = arith.cmpi eq, %iota3A, %eq3A_56 : vector<1x128xi32>
    %jit3A = arith.constant 0.000000e+00 : f32
    %broadcast_in_dim3A_58 = vector.broadcast %div3A_48 : f32 to vector<1x128xf32>
    %broadcast_in_dim3A_59 = vector.broadcast %jit3A : f32 to vector<1x128xf32>
    %select_n3A = arith.select %eq3A_57, %broadcast_in_dim3A_58, %broadcast_in_dim3A_59 : vector<1x128xi1>, vector<1x128xf32>
    %broadcast_in_dim3A_60 = vector.broadcast %div3A : f32 to vector<1x128xf32>
    %select_n3A_61 = arith.select %eq3A_54, %broadcast_in_dim3A_60, %select_n3A : vector<1x128xi1>, vector<1x128xf32>
    %broadcast_in_dim3A_62 = vector.broadcast %add3A_51 : f32 to vector<1x128xf32>
    %select_n3A_63 = arith.select %eq3A_50, %broadcast_in_dim3A_62, %select_n3A_61 : vector<1x128xi1>, vector<1x128xf32>
    %swap3A = arith.constant 0 : index
    %swap3A_64 = arith.constant 0 : index
    %swap3A_65 = vector.load %arg4[%swap3A, %swap3A_64] : memref<1x128xf32, #tpu.memory_space<vmem>>, vector<1x128xf32>
    tpu.vector_store %arg4[%swap3A, %swap3A_64], %select_n3A_63 {strides = array<i32>} : memref<1x128xf32, #tpu.memory_space<vmem>>, vector<1x128xf32>,
    return
  }
}

</mosaic_0001>

<sc_bundles>
// kernel: kernel.5.cloned.1.call-start
scs
__scs_entry_jumppad:
0x0: {  	(pc) =	sbr.rel $0x88, $3  }
0x1: {  	(tag) =	ssettag $0x0;
	lr =	simm.s32 $0x1  }
0x2: {  	[smem:$0x3F9D] =	sst lr;
	_ =	strace $0xD0000000  }
0x3: {  	_ = 	snop  }
0x4: {  	_ = 	snop  }
0x5: {  	_ = 	snop  }
0x6: {  	_ = 	snop  }
0x7: {  	_ = 	snop  }
__scs_overlays_trampoline_lowered:
0x8: {  	[smem:$0x3FAC] =	sst s0  }
0x9: {  	[smem:$0x3FAD] =	sst s1  }
0xa: {  	[smem:$0x3FAE] =	sst s2  }
0xb: {  	[smem:$0x3FAF] =	sst s3  }
0xc: {  	[smem:$0x3FB0] =	sst s4  }
0xd: {  	[smem:$0x3FB1] =	sst s5  }
0xe: {  	[smem:$0x3FB2] =	sst s6  }
0xf: {  	[smem:$0x3FB3] =	sst s7  }
0x10: {  	[smem:$0x3FB4] =	sst s8  }
0x11: {  	[smem:$0x3FB5] =	sst s9;
	s0 =	simm.s32 @!p0 $0x0  }
0x12: {  	s1 =	sld [smem:$0x3F9B];
	s0 =	simm.s32 @p0 $0x1  }
0x13: {  	[smem:$0x3FB6] =	sst s0;
	s0 =	simm.s32 @!p1 $0x0  }
0x14: {  	s2 =	sld [smem:$0x3F9A];
	s0 =	simm.s32 @p1 $0x1  }
0x15: {  	[smem:$0x3FB7] =	sst s0;
	s0 =	simm.s32 @!p2 $0x0  }
0x16: {  	s3 =	sld [smem:$0x3FDB];
	s0 =	simm.s32 @p2 $0x1  }
0x17: {  	s4 =	simm.s32 $0x1BF5;
	[smem:$0x3FB9] =	sst s0  }
0x18: {  	s0 =	sld [smem:$0x3F9C];
	_ =	swait.ge [sflag:s4], $0x0  }
0x19: {  	s7 =	sld [smem:$0x3F9D]  }
0x1a: {  	s8 =	sadd.s32 $0xFFFFE003, lr  }
0x1b: {  	s9 =	sadd.s32 $0xFFFFFEF7, lr;
	s5 =	simm.s32 $0xFFFFFFFF;
	p2 =	slt.u32 s8, $0xFFFFF086  }
0x1c: {  	p1 =	slt.u32 s9, $0xF7A;
	s5 =	simm.s32 @!p2 $0x0  }
0x1d: {  	s5 =	simm.s32 @p1 $0x1;
	p0 =	seq.s32 s7, s2  }
0x1e: {  	s7 =	smul.u32 @!p0 $0xF7A, s2;
	p2 =	seq.s32 @!p0 s5, $0x0  }
0x1f: {  	s9 =	smul.u32 $0xF7A, s1;
	s8 =	simm.s32 @!p0 $0x1BF5;
	p2 =	por !p2, p0  }
0x20: {  	[sflag:s8] =	ssyncset.s32 @!p0 $0xFFFFF086;
	s6 =	sadd.s32 @!p0 s3, s7;
	s7 =	simm.s32 @!p0 $0x108  }
0x21: {  	s3 =	sadd.s32 s3, s9;
	s6 =	sadd.s32 @!p0 $0x88, s6;
	s7 =	simm.s32 @p2 $0x1082  }
0x22: {  	[simem:s7], [sflag:s8] =	dma.local @!p0 [hbm:s6], $0xF7A  }
0x23: {  	s9 =	sor.u32 $0xD0000000, s2;
	s6 =	simm.s32 $0x108;
	_ =	swait.ge @!p0 [sflag:s8], $0x0  }
0x24: {  	s3 =	sadd.s32 $0x88, s3;
	s6 =	simm.s32 @!p1 $0x1082;
	[sflag:s4] =	ssyncset.s32 $0xFFFFF086  }
0x25: {  	[simem:s6], [sflag:s4] =	dma.local [hbm:s3], $0xF7A  }
0x26: {  	[smem:$0x3F9D] =	sst s1;
	(tag) =	ssettag s2;
	_ =	strace s9  }
0x27: {  	s1 =	sld [smem:$0x3FAD]  }
0x28: {  	s2 =	sld [smem:$0x3FAE]  }
0x29: {  	s4 =	sld [smem:$0x3FB0]  }
0x2a: {  	p0 =	seq.s32 s5, $0x0;
	s5 =	sld [smem:$0x3FB1]  }
0x2b: {  	s6 =	sld [smem:$0x3FB2]  }
0x2c: {  	s7 =	sld [smem:$0x3FB3]  }
0x2d: {  	s3 =	simm.s32 $0x108;
	s8 =	sld [smem:$0x3FB4]  }
0x2e: {  	s3 =	simm.s32 @!p0 $0x1082;
	s9 =	sld [smem:$0x3FB5]  }
0x2f: {  	lr =	sadd.s32 s0, s3;
	s0 =	sld [smem:$0x3FAC]  }
0x30: {  	s3 =	sld [smem:$0x3FAF]  }
0x31: {  	[smem:$0x3FB8] =	sst s10  }
0x32: {  	s10 =	sld [smem:$0x3FB6];
	_ =	sdelay $0x3  }
0x33: {  	p0 =	seq.s32 s10, $0x1;
	s10 =	sld [smem:$0x3FB8];
	_ =	sdelay $0x3  }
0x34: {  	[smem:$0x3FB8] =	sst s10  }
0x35: {  	s10 =	sld [smem:$0x3FB7];
	_ =	sdelay $0x3  }
0x36: {  	p1 =	seq.s32 s10, $0x1;
	s10 =	sld [smem:$0x3FB8];
	_ =	sdelay $0x3  }
0x37: {  	[smem:$0x3FB8] =	sst s10  }
0x38: {  	s10 =	sld [smem:$0x3FB9]  }
0x39: {  	_ = 	snop;
	(pc) =	sbr.ind lr, $3  }
0x3a: {  	_ = 	snop  }
0x3b: {  	_ = 	snop  }
0x3c: {  	p2 =	seq.s32 s10, $0x1;
	s10 =	sld [smem:$0x3FB8]  }
0x3d: {  	_ =	shalt  }
0x3e: {  	_ =	shalt  }
0x3f: {  	_ =	shalt  }
0x40: {  	_ =	shalt  }
0x41: {  	_ =	shalt  }
0x42: {  	_ =	shalt  }
0x43: {  	_ =	shalt  }
0x44: {  	_ =	shalt  }
0x45: {  	_ =	shalt  }
0x46: {  	_ =	shalt  }
0x47: {  	_ =	shalt  }
0x48: {  	_ =	shalt  }
0x49: {  	_ =	shalt  }
0x4a: {  	_ =	shalt  }
0x4b: {  	_ =	shalt  }
0x4c: {  	_ =	shalt  }
0x4d: {  	_ =	shalt  }
0x4e: {  	_ =	shalt  }
0x4f: {  	_ =	shalt  }
0x50: {  	_ =	shalt  }
0x51: {  	_ =	shalt  }
0x52: {  	_ =	shalt  }
0x53: {  	_ =	shalt  }
0x54: {  	_ =	shalt  }
0x55: {  	_ =	shalt  }
0x56: {  	_ =	shalt  }
0x57: {  	_ =	shalt  }
0x58: {  	_ =	shalt  }
0x59: {  	_ =	shalt  }
0x5a: {  	_ =	shalt  }
0x5b: {  	_ =	shalt  }
0x5c: {  	_ =	shalt  }
0x5d: {  	_ =	shalt  }
0x5e: {  	_ =	shalt  }
0x5f: {  	_ =	shalt  }
0x60: {  	_ =	shalt  }
0x61: {  	_ =	shalt  }
0x62: {  	_ =	shalt  }
0x63: {  	_ =	shalt  }
0x64: {  	_ =	shalt  }
0x65: {  	_ =	shalt  }
0x66: {  	_ =	shalt  }
0x67: {  	_ =	shalt  }
0x68: {  	_ =	shalt  }
0x69: {  	_ =	shalt  }
0x6a: {  	_ =	shalt  }
0x6b: {  	_ =	shalt  }
0x6c: {  	_ =	shalt  }
0x6d: {  	_ =	shalt  }
0x6e: {  	_ =	shalt  }
0x6f: {  	_ =	shalt  }
0x70: {  	_ =	shalt  }
0x71: {  	_ =	shalt  }
0x72: {  	_ =	shalt  }
0x73: {  	_ =	shalt  }
0x74: {  	_ =	shalt  }
0x75: {  	_ =	shalt  }
0x76: {  	_ =	shalt  }
0x77: {  	_ =	shalt  }
0x78: {  	_ =	shalt  }
0x79: {  	_ =	shalt  }
0x7a: {  	_ =	shalt  }
0x7b: {  	_ =	shalt  }
0x7c: {  	_ =	shalt  }
0x7d: {  	_ =	shalt  }
0x7e: {  	_ =	shalt  }
0x7f: {  	_ =	shalt  }
0x80: {  	_ =	shalt  }
0x81: {  	_ =	shalt  }
0x82: {  	_ =	shalt  }
0x83: {  	_ =	shalt  }
0x84: {  	_ =	shalt  }
0x85: {  	_ =	shalt  }
0x86: {  	_ =	shalt  }
0x87: {  	_ =	shalt  }
.Lfunc_end0:
.L_simem_size_0:
called_computation_lowered:
.L_overlay_start_0:
0x88: {  	s2 =	sld [smem:$0x3FD9]  }
0x89: {  	s3 =	sld [smem:$0x3FFE];
	_ =	sdelay $0x1  }
0x8a: {  	s1 =	srdreg.scid  }
0x8b: {  	s0 =	sand.u32 $0x1, s1  }
0x8c: {  	s16 =	sshll.u32 s0, $0xA;
	s2 =	sadd.s32 s3, s2  }
0x8d: {  	s2 =	sadd.s32 s2, s16  }
0x8e: {  	[smem:$0x3FC4] =	sst s2  }
0x8f: {  	_ = 	snop  }
0x90: {  	(tm) =	ssettm $0x1  }
0x91: {  	s17 =	sld [smem:$0x3FFB];
	_ =	sdelay $0x3  }
0x92: {  	_ =	strace s17  }
0x93: {  	s2 =	sld [smem:$0x3FFC];
	_ =	sdelay $0x3  }
0x94: {  	_ =	strace s2  }
0x95: {  	s2 =	sld [smem:$0x3FFD];
	_ =	sdelay $0x3  }
0x96: {  	_ =	strace s2  }
0x97: {  	_ =	strace $0x8FFFFFFF  }
0x98: {  	s18 =	sld [smem:$0x3FDB];
	_ =	sdelay $0x1  }
0x99: {  	s19 =	simm.s32 $_scs_section_size  }
0x9a: {  	s4 =	simm.s32 $_size__tile_overlayer_lowered;
	s5 =	simm.s32 $_tile_overlayer_lowered  }
0x9b: {  	s22 =	simm.s32 $0x1BFF;
	s21 =	sshll.u32 s5, $0x1;
	s2 =	sadd.s32 s19, s18  }
0x9c: {  	s6 =	simm.s32 $0x0;
	s20 =	sshll.u32 s4, $0x1;
	s4 =	sadd.s32 s21, s2  }
0x9d: {  	[timem:s6], [sflag:s22] =	dma.local [hbm:s4], s20  }
0x9e: {  	_ =	swait.ge [sflag:s22], s20  }
0x9f: {  	s3 =	ssub.s32 $0x0, s20;
	[sflag:s22] =	ssyncset.done $0x0  }
0xa0: {  	[sflag:s22] =	ssyncadd.s32 s3;
	_ =	sdelay $0x1  }
0xa1: {  	s23 =	simm.s32 $0x1B8B  }
0xa2: {  	_ =	swait.ge [sflag:s23], $0x1  }
0xa3: {  	[sflag:s23] =	ssyncset.done $0x0  }
0xa4: {  	s25 =	simm.s32 $0x1B8E;
	s24 =	sld [smem:$0x3FFE];
	[sflag:s23] =	ssyncadd.s32 $0xFFFFFFFF  }
0xa5: {  	s26 =	simm.s32 $execute0_lowered;
	[smem:$0x3FD2] =	sst s25  }
0xa6: {  	s4 =	sshll.u32 s26, $0x1;
	_ =	strace $0x80000046;
	[dreg:$0x1] =	wrdreg $0xFFFFFFFF  }
0xa7: {  	s28 =	simm.s32 $_size_execute0_lowered;
	s2 =	sadd.s32 s2, s4;
	[dreg:$0x0] =	wrdreg $0x0  }
0xa8: {  	s4 =	sshll.u32 s28, $0x1;
	[dreg:$0x2] =	wrdreg s2  }
0xa9: {  	[dreg:$0x3] =	wrdreg s4  }
0xaa: {  	[dreg:$0x4] =	wrdreg $0xC0  }
0xab: {  	_ =	task [dreg:s6], $0x5FFFF  }
0xac: {  	[dreg:$0x1] =	wrdreg $0xFFFFFFFF  }
0xad: {  	[dreg:$0x0] =	wrdreg $0x60  }
0xae: {  	[dreg:$0x2] =	wrdreg s24  }
0xaf: {  	[dreg:$0x3] =	wrdreg $0x9  }
0xb0: {  	_ =	task.clear_ibuf [dreg:s6], $0x4FFFF;
	_ =	strace $0x90000046  }
0xb1: {  	s29 =	simm.s32 $0x9;
	_ =	strace $0x80000048  }
0xb2: {  	_ =	swait.ge [sflag:s29], $0x1  }
0xb3: {  	[sflag:s29] =	ssyncadd.s32 $0xFFFFFFFF  }
0xb4: {  	_ =	strace $0x90000048  }
0xb5: {  	_ =	sfence  }
0xb6: {  	s30 =	sld [smem:$0x0];
	_ =	sdelay $0x2  }
0xb7: {  	s31 =	sshll.u32 s1, $0xD;
	s1 =	sshrl.u32 s1, $0x2  }
0xb8: {  	s3 =	sand.u32 $0x4000, s31;
	s1 =	sadd.s32 s1, s30  }
0xb9: {  	s0 =	sor.u32 s3, s0;
	s1 =	sshll.u32 s1, $0x11  }
0xba: {  	s0 =	sor.u32 s1, s0  }
0xbb: {  	s0 =	sadd.s32 $0x8F2B, s0  }
0xbc: {  	[sflag:s0] =	ssyncadd.remote.s32 $0x1  }
0xbd: {  	_ =	sfence.sel $0xFFFF  }
0xbe: {  	[dreg:$0x0] =	wrdreg $0xFFFFFFFF;
	(pc) =	sbr.abs _section_cstart, $3  }
0xbf: {  	[dreg:$0x1] =	wrdreg $0xFFFFFFFF  }
0xc0: {  	_ =	task.clear_ibuf [dreg:s6], $0x2FFFF;
	_ =	strace $0x9FFFFFFF  }
0xc1: {  	(tm) =	ssettm $0x7FFFFFFF  }
tec
execute0_lowered:
.L_overlay_start_1:
0x0: {  	(tag) =	ssettag $0x1  }
0x1: {  	s3 =	rddreg [dreg:$0x0]  }
0x2: {  	v0 =	vimm.s32 $0xFEDCBA98;
	s0 =	rddreg [dreg:$0x1];
	s1 =	simm.s32 $0x0  }
0x3: {  	s4 =	srdreg.scid;
	v1 =	vimm.s32 $0x76543210;
	s2 =	stileid.u32;
	v2 =	vimm.s32 $0xBA98FEDC;
	s9 =	simm.s32 $0x400  }
0x4: {  	v3 =	vimm.s32 $0x32107654;
	v4 =	vimm.s32 $0xDCFE98BA;
	s10 =	simm.s32 $0x1;
	s11 =	simm.s32 $0x2280;
	s12 =	simm.s32 $0x4500  }
0x5: {  	v5 =	vimm.s32 $0x54761032;
	v6 =	vimm.s32 $0xEFCDAB89;
	s13 =	simm.s32 $0x4580;
	s14 =	simm.s32 $0x0;
	[smem:$0x7FF] =	sst s1  }
0x6: {  	v7 =	vimm.s32 $0x67452301;
	v0 =	vunpack.c.l.s4.s8 v0;
	s4 =	sand.u32 $0x1, s4;
	v1 =	vunpack.c.l.s4.s8 v1;
	s5 =	sshrl.u32 s2, $0x2;
	s6 =	sshll.u32 s2, $0x8  }
0x7: {  	v2 =	vunpack.c.l.s4.s8 v2;
	v3 =	vunpack.c.l.s4.s8 v3;
	v4 =	vunpack.c.l.s4.s8 v4;
	s7 =	sshll.u32 s4, $0x7;
	s6 =	sand.u32 $0x300, s6;
	s8 =	smul.u32 $0x11400, s5  }
0x8: {  	v5 =	vunpack.c.l.s4.s8 v5;
	v6 =	vunpack.c.l.s4.s8 v6;
	v7 =	vunpack.c.l.s4.s8 v7;
	_ =	strace $0x80000047;
	s4 =	ssub.s32 $0x2, s4;
	s6 =	sor.u32 s7, s6  }
0x9: {  	s5 =	sshll.u32 s5, $0xA;
	v0 =	vunpack.c.0.s8.s32 v0;
	v1 =	vunpack.c.0.s8.s32 v1;
	s30 =	sshrl.u32 s4, $0x1;
	v2 =	vunpack.c.0.s8.s32 v2;
	s7 =	sor.u32 s8, s6  }
0xa: {  	v3 =	vunpack.c.0.s8.s32 v3;
	v4 =	vunpack.c.0.s8.s32 v4;
	v5 =	vunpack.c.0.s8.s32 v5;
	s5 =	sor.u32 s5, s6;
	s8 =	simm.s32 $0x80;
	s29 =	sshrl.u32 s7, $0x3  }
0xb: {  	v6 =	vunpack.c.0.s8.s32 v6;
	v7 =	vunpack.c.0.s8.s32 v7;
	v0 =	vand.u32 $0xF, v0;
	s5 =	sshrl.u32 s5, $0x3;
	s7 =	ssub.s32 s4, s30;
	s6 =	sadd.s32 s29, s3  }
0xc: {  	s31 =	sadd.s32 s5, s3;
	s7 =	smax.u32 s7, $0x1;
	v0 =	vcombine.low v0, v1;
	v1 =	vcombine.low v3, v2;
	v2 =	vimm.s32 $0x1;
	s3 =	sadd.s32 $0x2000, s6  }
0xd: {  	v3 =	vcombine.low v5, v4;
	v4 =	vimm.s32 $0x0;
	v5 =	vcombine.low v7, v6;
	s4 =	sadd.s32 $0xAA00, s6;
	s5 =	sadd.s32 $0x1E00, s31;
	s6 =	sadd.s32 $0x13400, s31  }
.LBB2_1:
0xe: {  	[tilespmem:s1], [sflag:$0x1] =	stream.strided.gather [hbm4b:s3+s8], $0x2280, s9, s8, $0x38;
	[tilespmem:$0x4600] =	vst v63  }
0xf: {  	_ =	swait.ge [sflag:s10], $0x2280  }
0x10: {  	[sflag:s10] =	ssyncset.done $0x0  }
0x11: {  	[sflag:s10] =	ssyncadd.s32 $0xFFFFDD80  }
0x12: {  	[tilespmem:s11], [sflag:$0x1] =	stream.strided.gather [hbm4b:s4+s8], $0x2280, s9, s8, $0x38;
	[tilespmem:$0x4600] =	vst v63  }
0x13: {  	_ =	swait.ge [sflag:s10], $0x2280  }
0x14: {  	[sflag:s10] =	ssyncset.done $0x0  }
0x15: {  	[sflag:s10] =	ssyncadd.s32 $0xFFFFDD80  }
0x16: {  	[tilespmem:s12], [sflag:$0x1] =	stream.linear.gather [hbm4b:s5+s1], $0x80, $0x38;
	[tilespmem:$0x4600] =	vst v63  }
0x17: {  	_ =	swait.ge [sflag:s10], $0x80  }
0x18: {  	[sflag:s10] =	ssyncset.done $0x0  }
0x19: {  	[sflag:s10] =	ssyncadd.s32 $0xFFFFFF80  }
0x1a: {  	v6 =	vld [tilespmem:$0x4500];
	_ =	sdelay $0x4  }
0x1b: {  	v6 =	vtrunc.f32 v6  }
0x1c: {  	v6 =	vcvt.f32.s32 v6;
	_ =	sdelay $0x1  }
0x1d: {  	v7 =	vmul.u32 $0x3, v6  }
0x1e: {  	v6 =	vsub.s32 $0x221C, v6  }
0x1f: {  	vm0 =	vlt.s32 v7, v6  }
0x20: {  	s15 =	simm.s32 $0x0;
	v6 =	vsel vm0, v7, v6;
	v7 =	vimm.s32 $0x0  }
.LBB2_2:
0x21: {  	s16 =	simm.s32 $0x22E0  }
0x22: {  	s17 =	ssub.s32 $0x1E, s15;
	v9 =	vld [tilespmem:s16+$0xFFFFFFA0]  }
0x23: {  	v8 =	vshll.u32 v2, s17;
	v10 =	vld [tilespmem:s16+$0xFFFFFFB0]  }
0x24: {  	v11 =	vld [tilespmem:s16+$0xFFFFFFC0];
	v8 =	vbroadcast v8, $0x0  }
0x25: {  	v12 =	vld [tilespmem:s16+$0xFFFFFFD0]  }
0x26: {  	v13 =	vld [tilespmem:s16+$0xFFFFFFE0];
	v8 =	vor.u32 v7, v8  }
0x27: {  	v14 =	vld [tilespmem:s16+$0xFFFFFFF0];
	vm0 =	vge.s32 v9, v8  }
0x28: {  	s31 =	simm.s32 $0x0;
	v16 =	vld [tilespmem:s16+$0x0];
	v9 =	vimm.s32 $0x0;
	v15 =	vsel vm0, $0x1, v4;
	vm0 =	vge.s32 v10, v8  }
0x29: {  	s17 =	sand.u32 $0x3FF0, s31;
	v9 =	vadd.s32 v15, v9;
	v10 =	vsel vm0, $0x1, v4;
	vm0 =	vge.s32 v11, v8;
	v15 =	vld [tilespmem:s16+$0x10]  }
0x2a: {  	v17 =	vld [tilespmem:s17+$0x2300];
	v9 =	vadd.s32 v10, v9;
	v10 =	vsel vm0, $0x1, v4;
	vm0 =	vge.s32 v12, v8  }
0x2b: {  	v10 =	vadd.s32 v10, v9;
	v11 =	vsel vm0, $0x1, v4;
	vm0 =	vge.s32 v13, v8;
	v9 =	vld [tilespmem:s16+$0x30]  }
0x2c: {  	v11 =	vadd.s32 v11, v10;
	v12 =	vsel vm0, $0x1, v4;
	vm0 =	vge.s32 v14, v8;
	v10 =	vld [tilespmem:s16+$0x40]  }
0x2d: {  	v12 =	vadd.s32 v12, v11;
	v13 =	vsel vm0, $0x1, v4;
	vm0 =	vge.s32 v16, v8;
	v11 =	vld [tilespmem:s16+$0x50]  }
0x2e: {  	v14 =	vadd.s32 v13, v12;
	v16 =	vsel vm0, $0x1, v4;
	vm0 =	vge.s32 v15, v8;
	v12 =	vld [tilespmem:s16+$0x60];
	s16 =	simm.s32 $0x23B0  }
0x2f: {  	s18 =	simm.s32 $0x1A0;
	s17 =	simm.s32 $0xD0;
	v13 =	vld [tilespmem:s16+$0xFFFFFFA0];
	v14 =	vadd.s32 v16, v14;
	v15 =	vsel vm0, $0x1, v4;
	vm0 =	vge.s32 v17, v8  }
.LBB2_3:
0x30: {  	p0 =	sne.s32 s18, $0x2150;
	v16 =	vld [tilespmem:s16+$0xFFFFFFB0];
	v14 =	vadd.s32 v15, v14;
	v15 =	vsel vm0, $0x1, v4;
	vm0 =	vge.s32 v9, v8  }
0x31: {  	v9 =	vld [tilespmem:s16+$0xFFFFFFC0];
	v14 =	vadd.s32 v15, v14;
	v15 =	vsel vm0, $0x1, v4;
	vm0 =	vge.s32 v10, v8  }
0x32: {  	v10 =	vld [tilespmem:s16+$0xFFFFFFD0];
	v14 =	vadd.s32 v15, v14;
	v15 =	vsel vm0, $0x1, v4;
	vm0 =	vge.s32 v11, v8  }
0x33: {  	v11 =	vld [tilespmem:s16+$0xFFFFFFE0];
	v14 =	vadd.s32 v15, v14;
	v15 =	vsel vm0, $0x1, v4;
	vm0 =	vge.s32 v12, v8  }
0x34: {  	vm1 =	vge.s32 v13, v8;
	v12 =	vld [tilespmem:s16+$0xFFFFFFF0];
	v13 =	vadd.s32 v15, v14;
	v14 =	vsel vm0, $0x1, v4  }
0x35: {  	v15 =	vsel vm1, $0x1, v4;
	vm0 =	vge.s32 v16, v8;
	v16 =	vld [tilespmem:s16+$0x0];
	v13 =	vadd.s32 v14, v13  }
0x36: {  	s19 =	sand.u32 $0x3FF0, s17;
	s17 =	smov.u32 s18;
	v13 =	vadd.s32 v15, v13;
	v14 =	vsel vm0, $0x1, v4;
	vm0 =	vge.s32 v9, v8;
	v15 =	vld [tilespmem:s16+$0x10]  }
0x37: {  	v9 =	vadd.s32 v14, v13;
	v13 =	vsel vm0, $0x1, v4;
	vm0 =	vge.s32 v10, v8;
	v17 =	vld [tilespmem:s19+$0x2300]  }
.Ltmp0:
0x38: {  	v10 =	vadd.s32 v13, v9;
	v13 =	vsel vm0, $0x1, v4;
	vm0 =	vge.s32 v11, v8;
	v9 =	vld [tilespmem:s16+$0x30];
	(pc) =	sbr.rel @p0 .LBB2_3-.Ltmp0, $4  }
0x39: {  	v11 =	vadd.s32 v13, v10;
	v13 =	vsel vm0, $0x1, v4;
	vm0 =	vge.s32 v12, v8;
	v10 =	vld [tilespmem:s16+$0x40]  }
0x3a: {  	v12 =	vadd.s32 v13, v11;
	v13 =	vsel vm0, $0x1, v4;
	vm0 =	vge.s32 v16, v8;
	v11 =	vld [tilespmem:s16+$0x50]  }
0x3b: {  	v14 =	vadd.s32 v13, v12;
	v16 =	vsel vm0, $0x1, v4;
	vm0 =	vge.s32 v15, v8;
	v12 =	vld [tilespmem:s16+$0x60];
	s16 =	sadd.s32 $0xD0, s16  }
0x3c: {  	s18 =	sadd.s32 $0xD0, s18;
	v13 =	vld [tilespmem:s16+$0xFFFFFFA0];
	v14 =	vadd.s32 v16, v14;
	v15 =	vsel vm0, $0x1, v4;
	vm0 =	vge.s32 v17, v8  }
0x3d: {  	v16 =	vld [tilespmem:s16+$0xFFFFFFB0];
	v14 =	vadd.s32 v15, v14;
	v33 =	vsel vm0, $0x1, v4;
	vm11 =	vge.s32 v9, v8  }
0x3e: {  	v34 =	vld [tilespmem:s16+$0xFFFFFFC0];
	v14 =	vadd.s32 v33, v14;
	v35 =	vsel vm11, $0x1, v4;
	vm12 =	vge.s32 v10, v8  }
0x3f: {  	v36 =	vld [tilespmem:s16+$0xFFFFFFD0];
	v14 =	vadd.s32 v35, v14;
	v37 =	vsel vm12, $0x1, v4;
	vm13 =	vge.s32 v11, v8  }
0x40: {  	v38 =	vld [tilespmem:s16+$0xFFFFFFE0];
	v14 =	vadd.s32 v37, v14;
	v39 =	vsel vm13, $0x1, v4;
	vm14 =	vge.s32 v12, v8  }
0x41: {  	v40 =	vld [tilespmem:s16+$0xFFFFFFF0];
	vm1 =	vge.s32 v13, v8;
	v41 =	vadd.s32 v39, v14;
	v42 =	vsel vm14, $0x1, v4  }
0x42: {  	v44 =	vld [tilespmem:s16+$0x0];
	v43 =	vsel vm1, $0x1, v4;
	vm15 =	vge.s32 v16, v8;
	v13 =	vadd.s32 v42, v41  }
0x43: {  	v46 =	vld [tilespmem:s16+$0x10];
	s17 =	sand.u32 $0x3FF0, s17;
	vm4 =	vge.s32 v34, v8;
	v13 =	vadd.s32 v43, v13;
	v45 =	vsel vm15, $0x1, v4  }
0x44: {  	v48 =	vld [tilespmem:s17+$0x2300];
	vm5 =	vge.s32 v36, v8;
	v47 =	vsel vm4, $0x1, v4;
	v13 =	vadd.s32 v45, v13  }
0x45: {  	v50 =	vld [tilespmem:s16+$0x30];
	vm6 =	vge.s32 v38, v8;
	v49 =	vsel vm5, $0x1, v4;
	v13 =	vadd.s32 v47, v13  }
0x46: {  	v52 =	vld [tilespmem:s16+$0x40];
	vm7 =	vge.s32 v40, v8;
	v51 =	vsel vm6, $0x1, v4;
	v13 =	vadd.s32 v49, v13  }
0x47: {  	v54 =	vld [tilespmem:s16+$0x50];
	vm8 =	vge.s32 v44, v8;
	v53 =	vsel vm7, $0x1, v4;
	v13 =	vadd.s32 v51, v13  }
0x48: {  	v56 =	vld [tilespmem:s16+$0x60];
	vm9 =	vge.s32 v46, v8;
	v55 =	vsel vm8, $0x1, v4;
	v13 =	vadd.s32 v53, v13  }
0x49: {  	v57 =	vsel vm9, $0x1, v4;
	vm10 =	vge.s32 v48, v8;
	v13 =	vadd.s32 v55, v13  }
0x4a: {  	vm11 =	vge.s32 v50, v8;
	v59 =	vsel vm10, $0x1, v4;
	v58 =	vadd.s32 v57, v13  }
0x4b: {  	vm12 =	vge.s32 v52, v8;
	v11 =	vsel vm11, $0x1, v4;
	v10 =	vadd.s32 v59, v58  }
0x4c: {  	vm13 =	vge.s32 v54, v8;
	v60 =	vsel vm12, $0x1, v4;
	v10 =	vadd.s32 v11, v10  }
0x4d: {  	vm14 =	vge.s32 v56, v8;
	v61 =	vsel vm13, $0x1, v4;
	v10 =	vadd.s32 v60, v10  }
0x4e: {  	v63 =	vsel vm14, $0x1, v4;
	v62 =	vadd.s32 v61, v10  }
0x4f: {  	v9 =	vadd.s32 v63, v62  }
0x50: {  	v10 =	vperm.xlane v9, v0;
	_ =	sdelay $0x1  }
0x51: {  	v9 =	vadd.s32 v9, v10  }
0x52: {  	v10 =	vperm.xlane v9, v1;
	_ =	sdelay $0x1  }
0x53: {  	v9 =	vadd.s32 v10, v9  }
0x54: {  	v10 =	vperm.xlane v9, v3  }
0x55: {  	s15 =	sadd.s32 $0x1, s15  }
0x56: {  	p0 =	sne.s32 s15, $0x1F;
	v9 =	vadd.s32 v10, v9  }
.Ltmp1:
0x57: {  	v10 =	vperm.xlane v9, v5;
	(pc) =	sbr.rel @p0 .LBB2_2-.Ltmp1, $4  }
0x58: {  	_ = 	snop  }
0x59: {  	v9 =	vadd.s32 v10, v9  }
0x5a: {  	vm15 =	vlt.s32 v9, v6  }
0x5b: {  	v7 =	vsel vm15, v7, v8  }
0x5c: {  	s15 =	simm.s32 $0x60  }
0x5d: {  	s17 =	simm.s32 $0x22E0;
	v8 =	vld [tilespmem:s15+$0x60]  }
0x5e: {  	v13 =	vld [tilespmem:s17+$0x60]  }
0x5f: {  	v9 =	vld [tilespmem:s15+$0x50]  }
0x60: {  	v14 =	vld [tilespmem:s17+$0x50]  }
0x61: {  	v10 =	vld [tilespmem:s15+$0x40]  }
0x62: {  	v15 =	vld [tilespmem:s17+$0x40]  }
0x63: {  	v17 =	vld [tilespmem:s17+$0x30]  }
0x64: {  	v18 =	vld [tilespmem:s17+$0x10]  }
0x65: {  	v20 =	vld [tilespmem:s17+$0x0]  }
0x66: {  	v19 =	vld [tilespmem:s17+$0xFFFFFFF0]  }
0x67: {  	v21 =	vld [tilespmem:s17+$0xFFFFFFE0]  }
0x68: {  	s16 =	simm.s32 $0x0;
	v24 =	vld [tilespmem:s17+$0xFFFFFFD0]  }
0x69: {  	s16 =	sand.u32 $0x3FF0, s16;
	v22 =	vld [tilespmem:s17+$0xFFFFFFC0]  }
0x6a: {  	v16 =	vld [tilespmem:s16+$0x2300]  }
0x6b: {  	v25 =	vld [tilespmem:s17+$0xFFFFFFB0]  }
0x6c: {  	v23 =	vimm.f32 $0.0e+00;
	v12 =	vimm.s32 $0x0;
	v11 =	vimm.f32 $-1.000000000e+00;
	s18 =	simm.s32 $0xD0;
	v26 =	vld [tilespmem:s17+$0xFFFFFFA0]  }
.LBB2_6:
0x6d: {  	p0 =	sne.s32 s18, $0x2150;
	v27 =	vld [tilespmem:s15+$0xFFFFFFA0];
	vm0 =	vgt.s32 v13, v7  }
0x6e: {  	vm3 =	vgt.s32 v17, v7;
	vm12 =	vgt.s32 v15, v7;
	vm1 =	vgt.s32 v14, v7;
	v28 =	vld [tilespmem:s15+$0x30]  }
0x6f: {  	vm5 =	vgt.s32 v20, v7;
	vm4 =	vgt.s32 v18, v7;
	vm2 =	vgt.s32 v16, v7;
	v14 =	vld [tilespmem:s15+$0xFFFFFFB0]  }
0x70: {  	vm11 =	vgt.s32 v21, v7;
	vm7 =	vgt.s32 v19, v7;
	vm9 =	vgt.s32 v24, v7;
	v15 =	vld [tilespmem:s15+$0x10]  }
0x71: {  	vm10 =	vgt.s32 v22, v7;
	vm8 =	vgt.s32 v25, v7;
	vm6 =	vgt.s32 v26, v7;
	v16 =	vld [tilespmem:s15+$0xFFFFFFC0]  }
0x72: {  	v29 =	vnsel vm0, $0x0, v8;
	v30 =	vsel vm0, $0x1, v4;
	v13 =	vnsel vm6, $0x0, v27;
	v17 =	vld [tilespmem:s15+$0x0]  }
0x73: {  	v26 =	vsel vm1, $0xBF800000, v9;
	v13 =	vadd.f32 v13, v23;
	v18 =	vld [tilespmem:s15+$0xFFFFFFD0];
	v23 =	vsel vm1, $0x1, v4  }
0x74: {  	v31 =	vsel vm12, $0xBF800000, v10;
	v25 =	vsel vm12, $0x1, v4;
	v19 =	vnsel vm8, $0x0, v14;
	v20 =	vld [tilespmem:s15+$0xFFFFFFF0]  }
0x75: {  	v22 =	vsel vm3, $0x1, v4;
	v32 =	vsel vm3, $0xBF800000, v28;
	v13 =	vadd.f32 v19, v13;
	v19 =	vld [tilespmem:s15+$0xFFFFFFE0]  }
0x76: {  	v24 =	vsel vm4, $0x1, v4;
	v33 =	vnsel vm12, $0x0, v10;
	v21 =	vnsel vm10, $0x0, v16  }
0x77: {  	v34 =	vsel vm2, $0x1, v4;
	v10 =	vadd.f32 v21, v13;
	v21 =	vsel vm4, $0xBF800000, v15  }
0x78: {  	v35 =	vsel vm5, $0x1, v4;
	v36 =	vsel vm5, $0xBF800000, v17;
	v13 =	vnsel vm9, $0x0, v18  }
0x79: {  	v37 =	vsel vm7, $0x1, v4;
	v10 =	vadd.f32 v13, v10;
	v38 =	vsel vm7, $0xBF800000, v20  }
0x7a: {  	v39 =	vsel vm11, $0x1, v4;
	s15 =	sadd.s32 $0xD0, s15;
	v13 =	vnsel vm11, $0x0, v19;
	v19 =	vsel vm11, $0xBF800000, v19  }
0x7b: {  	s17 =	sadd.s32 $0xD0, s17;
	v41 =	vsel vm9, $0x1, v4;
	v18 =	vsel vm9, $0xBF800000, v18;
	v40 =	vld [tilespmem:s15+$0x60];
	v10 =	vadd.f32 v13, v10  }
0x7c: {  	v42 =	vsel vm10, $0x1, v4;
	v16 =	vsel vm10, $0xBF800000, v16;
	v20 =	vnsel vm7, $0x0, v20;
	v13 =	vld [tilespmem:s17+$0x60]  }
0x7d: {  	v43 =	vsel vm8, $0x1, v4;
	v44 =	vsel vm8, $0xBF800000, v14;
	v10 =	vadd.f32 v20, v10;
	v45 =	vld [tilespmem:s16+$0x80]  }
0x7e: {  	v27 =	vsel vm6, $0xBF800000, v27;
	v17 =	vnsel vm5, $0x0, v17;
	v20 =	vsel vm6, $0x1, v4;
	v46 =	vld [tilespmem:s15+$0x50]  }
0x7f: {  	v11 =	vmax.f32 v11, v27;
	v12 =	vadd.s32 v20, v12;
	v14 =	vld [tilespmem:s17+$0x50];
	v17 =	vadd.f32 v17, v10  }
0x80: {  	v11 =	vmax.f32 v11, v44;
	v20 =	vnsel vm4, $0x0, v15;
	v12 =	vadd.s32 v43, v12;
	v10 =	vld [tilespmem:s15+$0x40]  }
0x81: {  	v11 =	vmax.f32 v11, v16;
	v12 =	vadd.s32 v42, v12;
	v15 =	vld [tilespmem:s17+$0x40];
	v20 =	vadd.f32 v20, v17  }
0x82: {  	v11 =	vmax.f32 v11, v18;
	s16 =	sand.u32 $0x3FF0, s18;
	v12 =	vadd.s32 v41, v12;
	v17 =	vld [tilespmem:s17+$0x30];
	v18 =	vnsel vm2, $0x0, v45  }
0x83: {  	v11 =	vmax.f32 v11, v19;
	v12 =	vadd.s32 v39, v12;
	v16 =	vld [tilespmem:s16+$0x2300];
	v19 =	vadd.f32 v18, v20  }
0x84: {  	v27 =	vnsel vm3, $0x0, v28;
	v11 =	vmax.f32 v11, v38;
	v12 =	vadd.s32 v37, v12;
	v18 =	vld [tilespmem:s17+$0x10]  }
0x85: {  	v11 =	vmax.f32 v11, v36;
	v12 =	vadd.s32 v35, v12;
	v20 =	vld [tilespmem:s17+$0x0];
	v27 =	vadd.f32 v27, v19  }
0x86: {  	v11 =	vmax.f32 v11, v21;
	v12 =	vadd.s32 v24, v12;
	v24 =	vsel vm2, $0xBF800000, v45;
	v19 =	vld [tilespmem:s17+$0xFFFFFFF0]  }
.Ltmp2:
0x87: {  	v12 =	vadd.s32 v34, v12;
	v11 =	vmax.f32 v11, v24;
	v21 =	vld [tilespmem:s17+$0xFFFFFFE0];
	v27 =	vadd.f32 v33, v27;
	(pc) =	sbr.rel @p0 .LBB2_6-.Ltmp2, $4  }
0x88: {  	v28 =	vnsel vm1, $0x0, v9;
	v9 =	vmovc v46;
	v12 =	vadd.s32 v22, v12;
	v11 =	vmax.f32 v11, v32;
	v24 =	vld [tilespmem:s17+$0xFFFFFFD0]  }
0x89: {  	v12 =	vadd.s32 v25, v12;
	v11 =	vmax.f32 v11, v31;
	v22 =	vld [tilespmem:s17+$0xFFFFFFC0];
	v27 =	vadd.f32 v28, v27  }
0x8a: {  	v12 =	vadd.s32 v23, v12;
	v11 =	vmax.f32 v11, v26;
	v28 =	vsel vm0, $0xBF800000, v8;
	v8 =	vmovc v40;
	v25 =	vld [tilespmem:s17+$0xFFFFFFB0]  }
0x8b: {  	s18 =	sadd.s32 $0xD0, s18;
	v12 =	vadd.s32 v30, v12;
	v11 =	vmax.f32 v11, v28;
	v26 =	vld [tilespmem:s17+$0xFFFFFFA0];
	v23 =	vadd.f32 v29, v27  }
0x8c: {  	vm0 =	vgt.s32 v13, v7  }
0x8d: {  	vm3 =	vgt.s32 v17, v7;
	vm1 =	vgt.s32 v15, v7;
	vm2 =	vgt.s32 v14, v7  }
0x8e: {  	vm7 =	vgt.s32 v20, v7;
	vm5 =	vgt.s32 v18, v7;
	vm4 =	vgt.s32 v16, v7  }
0x8f: {  	v27 =	vld [tilespmem:s15+$0xFFFFFFA0];
	vm12 =	vgt.s32 v21, v7;
	vm6 =	vgt.s32 v19, v7;
	vm10 =	vgt.s32 v24, v7  }
0x90: {  	v15 =	vnsel vm0, $0x0, v8;
	v55 =	vsel vm0, $0x1, v4;
	v56 =	vsel vm2, $0x1, v4  }
0x91: {  	v53 =	vld [tilespmem:s15+$0xFFFFFFB0];
	v58 =	vsel vm1, $0x1, v4;
	v62 =	vsel vm3, $0x1, v4;
	v33 =	vsel vm5, $0x1, v4  }
0x92: {  	v54 =	vld [tilespmem:s15+$0xFFFFFFC0];
	v34 =	vsel vm12, $0x1, v4;
	v36 =	vsel vm6, $0x1, v4;
	vm9 =	vgt.s32 v26, v7  }
0x93: {  	v60 =	vld [tilespmem:s15+$0xFFFFFFD0];
	vm8 =	vgt.s32 v22, v7;
	vm11 =	vgt.s32 v25, v7;
	v59 =	vsel vm9, $0x1, v4  }
0x94: {  	v63 =	vld [tilespmem:s15+$0xFFFFFFE0];
	v61 =	vsel vm11, $0x1, v4;
	v7 =	vnsel vm9, $0x0, v27;
	v12 =	vadd.s32 v59, v12  }
0x95: {  	v32 =	vld [tilespmem:s15+$0x0];
	v22 =	vsel vm8, $0x1, v4;
	v7 =	vadd.f32 v7, v23;
	v12 =	vadd.s32 v61, v12  }
0x96: {  	v24 =	vsel vm10, $0x1, v4;
	v57 =	vnsel vm11, $0x0, v53;
	v12 =	vadd.s32 v22, v12  }
0x97: {  	v35 =	vld [tilespmem:s15+$0xFFFFFFF0];
	v28 =	vsel vm7, $0x1, v4;
	v7 =	vadd.f32 v57, v7;
	v12 =	vadd.s32 v24, v12  }
0x98: {  	v39 =	vsel vm4, $0x1, v4;
	v31 =	vnsel vm8, $0x0, v54;
	v12 =	vadd.s32 v34, v12  }
0x99: {  	v37 =	vnsel vm10, $0x0, v60;
	v7 =	vadd.f32 v31, v7;
	v12 =	vadd.s32 v36, v12  }
0x9a: {  	v41 =	vld [tilespmem:s15+$0x10];
	v40 =	vnsel vm12, $0x0, v63;
	v29 =	vsel vm7, $0xBF800000, v32;
	v12 =	vadd.s32 v28, v12  }
0x9b: {  	v18 =	vsel vm12, $0xBF800000, v63;
	v7 =	vadd.f32 v37, v7;
	v12 =	vadd.s32 v33, v12  }
0x9c: {  	v42 =	vnsel vm6, $0x0, v35;
	v43 =	vsel vm10, $0xBF800000, v60;
	v12 =	vadd.s32 v39, v12  }
0x9d: {  	v44 =	vld [tilespmem:s16+$0x80];
	v13 =	vsel vm11, $0xBF800000, v53;
	v7 =	vadd.f32 v40, v7;
	v12 =	vadd.s32 v62, v12  }
0x9e: {  	v45 =	vnsel vm7, $0x0, v32;
	v47 =	vsel vm9, $0xBF800000, v27;
	v12 =	vadd.s32 v58, v12  }
0x9f: {  	v46 =	vld [tilespmem:s15+$0x30];
	v48 =	vnsel vm5, $0x0, v41;
	v7 =	vadd.f32 v42, v7;
	v12 =	vadd.s32 v56, v12  }
0xa0: {  	v14 =	vsel vm8, $0xBF800000, v54;
	v11 =	vmax.f32 v11, v47;
	v12 =	vadd.s32 v55, v12  }
0xa1: {  	v11 =	vmax.f32 v11, v13;
	v7 =	vadd.f32 v45, v7;
	v49 =	vperm.xlane v12, v0  }
0xa2: {  	v50 =	vnsel vm4, $0x0, v44;
	v52 =	vsel vm6, $0xBF800000, v35;
	v11 =	vmax.f32 v11, v14  }
0xa3: {  	v11 =	vmax.f32 v11, v43;
	v7 =	vadd.f32 v48, v7;
	v12 =	vadd.s32 v12, v49  }
0xa4: {  	v53 =	vnsel vm3, $0x0, v46;
	v11 =	vmax.f32 v11, v18;
	v51 =	vperm.xlane v12, v1  }
0xa5: {  	v54 =	vsel vm5, $0xBF800000, v41;
	v11 =	vmax.f32 v11, v52;
	v7 =	vadd.f32 v50, v7  }
0xa6: {  	v57 =	vsel vm4, $0xBF800000, v44;
	v11 =	vmax.f32 v11, v29;
	v12 =	vadd.s32 v51, v12  }
0xa7: {  	v11 =	vmax.f32 v11, v54;
	v7 =	vadd.f32 v53, v7;
	v55 =	vperm.xlane v12, v3  }
0xa8: {  	v38 =	vnsel vm1, $0x0, v10;
	v61 =	vsel vm1, $0xBF800000, v10;
	v11 =	vmax.f32 v11, v57  }
0xa9: {  	v56 =	vsel vm3, $0xBF800000, v46;
	v7 =	vadd.f32 v38, v7;
	v12 =	vadd.s32 v55, v12  }
0xaa: {  	v58 =	vnsel vm2, $0x0, v9;
	v11 =	vmax.f32 v11, v56;
	v59 =	vperm.xlane v12, v5  }
0xab: {  	v60 =	vsel vm2, $0xBF800000, v9;
	v10 =	vmax.f32 v11, v61;
	v7 =	vadd.f32 v58, v7  }
0xac: {  	v63 =	vsel vm0, $0xBF800000, v8;
	v9 =	vmax.f32 v10, v60;
	v62 =	vadd.s32 v12, v59  }
0xad: {  	v8 =	vmax.f32 v9, v63;
	v7 =	vadd.f32 v15, v7;
	v6 =	vsub.s32 v6, v62  }
0xae: {  	s14 =	sadd.s32 $0x1, s14;
	[tilespmem:$0x4590] =	vst v8;
	v6 =	vcvt.s32.f32 v6  }
0xaf: {  	p0 =	sne.s32 s14, s7;
	[tilespmem:$0x4580] =	vst v7  }
.Ltmp3:
0xb0: {  	[tilespmem:$0x45A0] =	vst v6;
	(pc) =	sbr.rel @p0 .LBB2_1-.Ltmp3, $4  }
0xb1: {  	[hbm4b:s6+s1] =	stream.linear.scatter [tilespmem:s13], [sflag:$0x1], $0x80, $0x38;
	[tilespmem:$0x4600] =	vst v63  }
0xb2: {  	_ =	swait.ge [sflag:s10], $0x80  }
0xb3: {  	[sflag:s10] =	ssyncset.done $0x0  }
0xb4: {  	[sflag:s10] =	ssyncadd.s32 $0xFFFFFF80  }
0xb5: {  	_ =	sfence.sel $0x180000  }
0xb6: {  	[bflag:$0x0] =	sbarrier.arrive $0xFFFF  }
0xb7: {  	p0 =	sne.s32 s2, $0x0;
	_ =	strace $0x90000047  }
0xb8: {  	s0 =	sadd.s32 @!p0 $0x100000, s0;
	[bflag:$0x2] =	sbarrier.arrive $0xFFFF  }
0xb9: {  	[sflag:s0] =	ssyncadd.tile.s32 @!p0 $0x1;
	_ =	shalt  }
.Lfunc_end2:
_tile_overlayer_lowered:
.L_overlay_start_2:
0xba: {  	(tag) =	ssettag $0x2  }
0xbb: {  	s0 =	rddreg [dreg:$0x0];
	s2 =	stileid.u32  }
0xbc: {  	s1 =	rddreg [dreg:$0x1];
	p0 =	sne.s32 s2, $0x0  }
0xbd: {  	s3 =	rddreg [dreg:$0x2];
	[bflag:$0x3] =	sbarrier.arrive $0xFFFF;
	s2 =	simm.s32 @!p0 $0x1C01  }
0xbe: {  	[timem:s3], [sflag:s2] =	dma.local @!p0 [hbm:s0], s1  }
0xbf: {  	s0 =	simm.s32 @!p0 $0x1  }
0xc0: {  	_ =	swait.ge @!p0 [sflag:s0], s1  }
0xc1: {  	s1 =	ssub.s32 @!p0 $0x0, s1;
	[sflag:s0] =	ssyncset.done @!p0 $0x0  }
0xc2: {  	[sflag:s0] =	ssyncadd.s32 @!p0 s1  }
0xc3: {  	[bflag:$0x3] =	sbarrier.arrive $0xFFFF  }
0xc4: {  	_ =	shalt  }

</sc_bundles>
